<compile_context>
chip_gen: v7x
topology: tpu7x:2x2x1
jax: 0.10.2.dev20260603
libtpu: 0.0.44.dev20260713+nightly
codegen_flags: <defaults>
</compile_context>

<pallas_src>
import functools

import jax
import jax.numpy as jnp
from jax import lax
from jax.experimental import pallas as pl
from jax.experimental.pallas import tpu as pltpu
from jax.experimental.pallas import tpu_sc as plsc

N = 10000
E = 320000
D = 128
NC, NS = 2, 16
NW = NC * NS
NPAD = 10016
CH = 128
NCH = 80
EPT_PAD = NCH * CH
E_PAD = EPT_PAD * NW
NROWS_T = N // NS
NZROWS_T = NPAD // NS
DEPTH = 2
CPT = (80, 80)
CBASE = (0, NS * CPT[0])
CPT_MAX = max(CPT)

_sc_params = pltpu.CompilerParams(use_tc_tiling_on_sc=False,
                                  needs_layout_passes=False)


@functools.lru_cache(maxsize=None)
def _sc_kernels():
    mesh = plsc.VectorSubcoreMesh(core_axis_name="c", subcore_axis_name="s",
                                  num_cores=NC, num_subcores=NS)
    degrees = pl.kernel(
        _degrees_body,
        out_type=(
            jax.ShapeDtypeStruct((NW, NPAD), jnp.float32),
            jax.ShapeDtypeStruct((NW, NPAD), jnp.float32),
        ),
        mesh=mesh,
        compiler_params=_sc_params,
        scratch_types=[
            pltpu.VMEM((EPT_PAD,), jnp.int32),
            pltpu.VMEM((EPT_PAD,), jnp.int32),
            pltpu.VMEM((NPAD,), jnp.float32),
            pltpu.VMEM((NPAD,), jnp.float32),
        ],
    )
    aggregate = pl.kernel(
        _aggregate_body,
        out_type=jax.ShapeDtypeStruct((NC, N, D), jnp.float32),
        mesh=mesh,
        compiler_params=_sc_params,
        scratch_types=[
            pltpu.VMEM((CH,), jnp.int32),
            pltpu.VMEM((CH,), jnp.int32),
            pltpu.VMEM((CPT_MAX, CH), jnp.int32),
            pltpu.VMEM((CH, D), jnp.float32),
            pltpu.VMEM((CH, D), jnp.float32),
            pltpu.SemaphoreType.DMA,
            pltpu.SemaphoreType.DMA,
            pltpu.SemaphoreType.DMA,
            pltpu.SemaphoreType.DMA,
            pltpu.VMEM_SHARED((NPAD, D), jnp.float32),
        ],
    )
    return degrees, aggregate


def _degrees_body(src_hbm, dst_hbm, odeg_hbm, ideg_hbm, src_v, dst_v, oh_v, ih_v):
    c = lax.axis_index("c")
    s = lax.axis_index("s")
    t = s * NC + c
    zeros = jnp.zeros((16,), jnp.float32)

    def zbody(j, carry):
        oh_v[pl.ds(j * 16, 16)] = zeros
        ih_v[pl.ds(j * 16, 16)] = zeros
        return carry

    lax.fori_loop(0, NPAD // 16, zbody, 0)

    base = t * EPT_PAD
    pltpu.sync_copy(src_hbm.at[pl.ds(base, EPT_PAD)], src_v)
    pltpu.sync_copy(dst_hbm.at[pl.ds(base, EPT_PAD)], dst_v)

    ones = jnp.ones((16,), jnp.float32)

    def body(i, carry):
        si = src_v[pl.ds(i * 16, 16)]
        plsc.addupdate_scatter(oh_v, [si], ones)
        di = dst_v[pl.ds(i * 16, 16)]
        plsc.addupdate_scatter(ih_v, [di], ones)
        return carry

    lax.fori_loop(0, EPT_PAD // 16, body, 0)

    pltpu.sync_copy(oh_v, odeg_hbm.at[t])
    pltpu.sync_copy(ih_v, ideg_hbm.at[t])


def _aggregate_body(feat_hbm, src_hbm, dst_hbm, zero_hbm, out_hbm,
                    si0, si1, didx, r0, r1, gs0, gs1, is0, is1, acc_sh):
    c = lax.axis_index("c")
    s = lax.axis_index("s")
    t = s * NC + c
    rows = (r0, r1)
    gsems = (gs0, gs1)
    sidx = (si0, si1)
    isems = (is0, is1)

    with jax.named_scope("acc_zero"):
        pltpu.sync_copy(zero_hbm.at[pl.ds(s * NZROWS_T, NZROWS_T)],
                        acc_sh.at[pl.ds(s * NZROWS_T, NZROWS_T)])
        plsc.subcore_barrier()

    def run_pipe(base, n):
        pltpu.sync_copy(dst_hbm.at[pl.ds(base, n)], didx.at[pl.ds(0, n)])
        for j in range(DEPTH):
            pltpu.sync_copy(src_hbm.at[base + j], sidx[j])
            pltpu.async_copy(feat_hbm.at[sidx[j]], rows[j], gsems[j])

        def step(gg, j, refill):
            pltpu.make_async_copy(feat_hbm.at[sidx[j]], rows[j],
                                  gsems[j]).wait()
            if refill:
                pltpu.async_copy(src_hbm.at[base + gg + DEPTH], sidx[j],
                                 isems[j])
            pltpu.sync_copy(rows[j], acc_sh.at[didx.at[gg]], add=True)
            if refill:
                pltpu.make_async_copy(src_hbm.at[0], sidx[j],
                                      isems[j]).wait()
                pltpu.async_copy(feat_hbm.at[sidx[j]], rows[j], gsems[j])

        def body(q, carry):
            g = q * DEPTH
            for j in range(DEPTH):
                step(g + j, j, True)
            return carry

        lax.fori_loop(0, n // DEPTH - 1, body, 0)
        for j in range(DEPTH):
            step(n - DEPTH + j, j, False)

    with jax.named_scope("pipe"):
        @pl.when(c == 0)
        def _():
            run_pipe(CBASE[0] + s * CPT[0], CPT[0])

        @pl.when(c == 1)
        def _():
            run_pipe(CBASE[1] + s * CPT[1], CPT[1])

        plsc.subcore_barrier()

    with jax.named_scope("acc_out"):
        pltpu.sync_copy(acc_sh.at[pl.ds(s * NROWS_T, NROWS_T)],
                        out_hbm.at[c, pl.ds(s * NROWS_T, NROWS_T)])


def _prep_body(feat_ref, od_ref, wmu_ref, wrho_ref, weps_ref,
               bmu_ref, brho_ref, beps_ref, fs_ref, w_ref, b_ref):
    od = jnp.sum(od_ref[...], axis=0)
    od = jnp.maximum(od[:N], 1.0)
    fs_ref[pl.ds(0, N), :] = feat_ref[...] * lax.rsqrt(od)[:, None]
    fs_ref[pl.ds(N, NPAD - N), :] = jnp.zeros((NPAD - N, D), jnp.float32)
    w_ref[...] = wmu_ref[...] + weps_ref[...] * jnp.log1p(jnp.exp(wrho_ref[...]))
    b_ref[...] = bmu_ref[...] + beps_ref[...] * jnp.log1p(jnp.exp(brho_ref[...]))


_prep = pl.pallas_call(
    _prep_body,
    out_shape=(
        jax.ShapeDtypeStruct((NPAD, D), jnp.float32),
        jax.ShapeDtypeStruct((D, D), jnp.float32),
        jax.ShapeDtypeStruct((1, D), jnp.float32),
    ),
)


def _finish_body(p_ref, id_ref, w_ref, b_ref, out_ref):
    agg = p_ref[0] + p_ref[1]
    idg = jnp.maximum(jnp.sum(id_ref[...], axis=0)[:N], 1.0)
    rst = agg * lax.rsqrt(idg)[:, None]
    out_ref[...] = (
        jnp.dot(rst, w_ref[...], preferred_element_type=jnp.float32)
        + b_ref[...]
    )


_finish = pl.pallas_call(
    _finish_body,
    out_shape=jax.ShapeDtypeStruct((N, D), jnp.float32),
)


def kernel(feat, edge_index, W_mu, W_rho, bias_mu, bias_rho, W_eps, bias_eps):
    ei = edge_index.astype(jnp.int32)
    pad = N + jnp.arange(E_PAD - E, dtype=jnp.int32) % (NPAD - N)
    src_pad = jnp.concatenate([ei[0], pad])
    dst_pad = jnp.concatenate([ei[1], pad])

    degrees, aggregate = _sc_kernels()
    odeg_parts, ideg_parts = degrees(src_pad, dst_pad)
    feat_scaled, weight, bias = _prep(
        feat, odeg_parts, W_mu, W_rho, W_eps,
        bias_mu.reshape(1, D), bias_rho.reshape(1, D), bias_eps.reshape(1, D))
    zeros = jnp.zeros((NPAD, D), jnp.float32)
    partials = aggregate(feat_scaled,
                         src_pad.reshape(NW * NCH, CH),
                         dst_pad.reshape(NW * NCH, CH), zeros)
    return _finish(partials, ideg_parts, weight, bias)

# --- scband reference (transcript-rebuilt; emitter-appended) ---
"""Pipeline reference for scband-bbbgraph-conv-20598663152186 (READ-ONLY COPY).

The authoritative reference and input builder live on the scoring server;
editing this copy changes nothing except your own understanding.
"""

import jax, jax.numpy as jnp
import numpy as np

N_NODES = 10000
N_EDGES = 320000
D_IN = 128
D_OUT = 128


def setup_inputs(seed: int = 0) -> dict:
    key = jax.random.key(seed)
    k1, k2, k3, k4, k5, k6, k7, k8 = jax.random.split(key, 8)
    feat = jax.random.normal(k1, (N_NODES, D_IN), dtype=jnp.float32)
    edge_index = jax.random.randint(k2, (2, N_EDGES), 0, N_NODES)
    # Bayesian parameters, initialized per posterior_mu_initial=(0,0.1), posterior_rho_initial=(-3,0.1)
    W_mu = 0.0 + 0.1 * jax.random.normal(k3, (D_IN, D_OUT), dtype=jnp.float32)
    W_rho = -3.0 + 0.1 * jax.random.normal(k4, (D_IN, D_OUT), dtype=jnp.float32)
    bias_mu = 0.0 + 0.1 * jax.random.normal(k5, (D_OUT,), dtype=jnp.float32)
    bias_rho = -3.0 + 0.1 * jax.random.normal(k6, (D_OUT,), dtype=jnp.float32)
    # Reparameterization noise (sample=True path), fixed for determinism
    W_eps = jax.random.normal(k7, (D_IN, D_OUT), dtype=jnp.float32)
    bias_eps = jax.random.normal(k8, (D_OUT,), dtype=jnp.float32)
    return {"feat": feat, "edge_index": edge_index, "W_mu": W_mu, "W_rho": W_rho,
            "bias_mu": bias_mu, "bias_rho": bias_rho, "W_eps": W_eps, "bias_eps": bias_eps}


def reference(feat, edge_index, W_mu, W_rho, bias_mu, bias_rho, W_eps, bias_eps):
    # Sample weight/bias via local reparameterization: w = mu + eps * softplus(rho)
    W_sigma = jnp.log1p(jnp.exp(W_rho))
    weight = W_mu + W_eps * W_sigma
    bias_sigma = jnp.log1p(jnp.exp(bias_rho))
    bias = bias_mu + bias_eps * bias_sigma

    src = edge_index[0]
    dst = edge_index[1]
    ones = jnp.ones((N_EDGES,), dtype=jnp.float32)
    out_deg = jnp.zeros((N_NODES,), dtype=jnp.float32).at[src].add(ones)
    in_deg = jnp.zeros((N_NODES,), dtype=jnp.float32).at[dst].add(ones)
    out_deg = jnp.clip(out_deg, 1.0, None)
    in_deg = jnp.clip(in_deg, 1.0, None)

    # DGL GraphConv norm='both': h = D_in^{-1/2} A^T (D_out^{-1/2} X) W
    feat_src = feat * (out_deg ** -0.5)[:, None]
    gathered = jnp.take(feat_src, src, axis=0)
    agg = jax.ops.segment_sum(gathered, dst, num_segments=N_NODES)
    rst = agg * (in_deg ** -0.5)[:, None]
    out = rst @ weight + bias
    return out

if __name__ == "__main__":
    import jax
    _d = setup_inputs()
    print(jax.jit(kernel)(*tuple(_d.values())))

</pallas_src>

<mosaic_0001>
#map = affine_map<(d0, d1) -> (0)>
#map1 = affine_map<(d0, d1) -> (0, 0)>
module attributes {stable_mosaic.version = 14 : i64} {
  func.func @_degrees_body(%arg0: i32, %arg1: i32, %arg2: memref<327680xi32, #tpu.memory_space<hbm>>, %arg3: memref<327680xi32, #tpu.memory_space<hbm>>, %arg4: memref<32x10016xf32, #tpu.memory_space<hbm>>, %arg5: memref<32x10016xf32, #tpu.memory_space<hbm>>, %arg6: memref<10240xi32, #tpu.memory_space<vmem>>, %arg7: memref<10240xi32, #tpu.memory_space<vmem>>, %arg8: memref<10016xf32, #tpu.memory_space<vmem>>, %arg9: memref<10016xf32, #tpu.memory_space<vmem>>) attributes {dimension_semantics = [#tpu.dimension_semantics<core_parallel>, #tpu.dimension_semantics<subcore_parallel>], iteration_bounds = array<i64: 2, 16>, scalar_prefetch = 0 : i64, scratch_operands = 4 : i64, tpu.core_type = #tpu.core_type<sc_vector_subcore>, window_params = [{transform_indices = #map}, {transform_indices = #map}, {transform_indices = #map1}, {transform_indices = #map1}]} {
    %mul3A = arith.constant 2 : i32
    %mul3A_0 = arith.muli %arg1, %mul3A : i32
    %add3A = arith.addi %mul3A_0, %arg0 : i32
    %broadcast_in_dim3A = arith.constant 0.000000e+00 : f32
    %broadcast_in_dim3A_1 = vector.broadcast %broadcast_in_dim3A : f32 to vector<16xf32>
    %scan3A = arith.constant 0 : i32
    %scan3A_2 = arith.constant 0 : i32
    %scan3A_3 = arith.constant 626 : i32
    %scan3A_4 = arith.addi %scan3A_2, %scan3A_3 : i32
    %scan3A_5 = arith.constant 1 : i32
    scf.for %scan3A_17 = %scan3A_2 to %scan3A_4 step %scan3A_5  : i32 {
      %mul3A_18 = arith.constant 16 : i32
      %mul3A_19 = arith.muli %scan3A_17, %mul3A_18 : i32
      %swap3A = arith.index_cast %mul3A_19 : i32 to index
      %swap3A_20 = tpu.vector_load %arg8[%swap3A] {strides = array<i32>} : memref<10016xf32, #tpu.memory_space<vmem>>, vector<16xf32>,
      tpu.vector_store %arg8[%swap3A], %broadcast_in_dim3A_1 {strides = array<i32>} : memref<10016xf32, #tpu.memory_space<vmem>>, vector<16xf32>,
      %mul3A_21 = arith.constant 16 : i32
      %mul3A_22 = arith.muli %scan3A_17, %mul3A_21 : i32
      %swap3A_23 = arith.index_cast %mul3A_22 : i32 to index
      %swap3A_24 = tpu.vector_load %arg9[%swap3A_23] {strides = array<i32>} : memref<10016xf32, #tpu.memory_space<vmem>>, vector<16xf32>,
      tpu.vector_store %arg9[%swap3A_23], %broadcast_in_dim3A_1 {strides = array<i32>} : memref<10016xf32, #tpu.memory_space<vmem>>, vector<16xf32>,
    }
    %scan3A_6 = arith.constant 626 : i32
    %mul3A_7 = arith.constant 10240 : i32
    %mul3A_8 = arith.muli %add3A, %mul3A_7 : i32
    "tpu.region"() ({
      %run_scoped3A = tpu.sem_alloc : memref<!tpu.dma_semaphore, #tpu.memory_space<semaphore_mem>>
      %dma_start3A = tpu.memref_slice %arg2[%mul3A_8] : memref<327680xi32, #tpu.memory_space<hbm>> -> memref<10240xi32, #tpu.memory_space<hbm>>
      %dma_start3A_17 = tpu.memref_slice %arg2[%mul3A_8] : memref<327680xi32, #tpu.memory_space<hbm>> -> memref<10240xi32, #tpu.memory_space<hbm>>
      tpu.enqueue_dma source(%dma_start3A_17 : memref<10240xi32, #tpu.memory_space<hbm>>) target(%arg6 : memref<10240xi32, #tpu.memory_space<vmem>>) target_semaphore(%run_scoped3A : memref<!tpu.dma_semaphore, #tpu.memory_space<semaphore_mem>>)
      %dma_wait3A = tpu.memref_slice %arg2[%mul3A_8] : memref<327680xi32, #tpu.memory_space<hbm>> -> memref<10240xi32, #tpu.memory_space<hbm>>
      %dma_wait3A_18 = tpu.memref_slice %arg2[%mul3A_8] : memref<327680xi32, #tpu.memory_space<hbm>> -> memref<10240xi32, #tpu.memory_space<hbm>>
      tpu.wait_dma2 semaphore(%run_scoped3A : memref<!tpu.dma_semaphore, #tpu.memory_space<semaphore_mem>>) src(%dma_wait3A_18 : memref<10240xi32, #tpu.memory_space<hbm>>) dst(%arg6 : memref<10240xi32, #tpu.memory_space<vmem>>)
      tpu.yield
    }) : () -> ()
    "tpu.region"() ({
      %run_scoped3A = tpu.sem_alloc : memref<!tpu.dma_semaphore, #tpu.memory_space<semaphore_mem>>
      %dma_start3A = tpu.memref_slice %arg3[%mul3A_8] : memref<327680xi32, #tpu.memory_space<hbm>> -> memref<10240xi32, #tpu.memory_space<hbm>>
      %dma_start3A_17 = tpu.memref_slice %arg3[%mul3A_8] : memref<327680xi32, #tpu.memory_space<hbm>> -> memref<10240xi32, #tpu.memory_space<hbm>>
      tpu.enqueue_dma source(%dma_start3A_17 : memref<10240xi32, #tpu.memory_space<hbm>>) target(%arg7 : memref<10240xi32, #tpu.memory_space<vmem>>) target_semaphore(%run_scoped3A : memref<!tpu.dma_semaphore, #tpu.memory_space<semaphore_mem>>)
      %dma_wait3A = tpu.memref_slice %arg3[%mul3A_8] : memref<327680xi32, #tpu.memory_space<hbm>> -> memref<10240xi32, #tpu.memory_space<hbm>>
      %dma_wait3A_18 = tpu.memref_slice %arg3[%mul3A_8] : memref<327680xi32, #tpu.memory_space<hbm>> -> memref<10240xi32, #tpu.memory_space<hbm>>
      tpu.wait_dma2 semaphore(%run_scoped3A : memref<!tpu.dma_semaphore, #tpu.memory_space<semaphore_mem>>) src(%dma_wait3A_18 : memref<10240xi32, #tpu.memory_space<hbm>>) dst(%arg7 : memref<10240xi32, #tpu.memory_space<vmem>>)
      tpu.yield
    }) : () -> ()
    %broadcast_in_dim3A_9 = arith.constant 1.000000e+00 : f32
    %broadcast_in_dim3A_10 = vector.broadcast %broadcast_in_dim3A_9 : f32 to vector<16xf32>
    %scan3A_11 = arith.constant 0 : i32
    %scan3A_12 = arith.constant 0 : i32
    %scan3A_13 = arith.constant 640 : i32
    %scan3A_14 = arith.addi %scan3A_12, %scan3A_13 : i32
    %scan3A_15 = arith.constant 1 : i32
    scf.for %scan3A_17 = %scan3A_12 to %scan3A_14 step %scan3A_15  : i32 {
      %mul3A_18 = arith.constant 16 : i32
      %mul3A_19 = arith.muli %scan3A_17, %mul3A_18 : i32
      %get3A = arith.index_cast %mul3A_19 : i32 to index
      %get3A_20 = tpu.vector_load %arg6[%get3A] {strides = array<i32>} : memref<10240xi32, #tpu.memory_space<vmem>>, vector<16xi32>,
      tpu.vector_store_idx %arg8[%get3A_20], %broadcast_in_dim3A_10 {add = true} : memref<10016xf32, #tpu.memory_space<vmem>>[vector<16xi32>], vector<16xf32>,
      %mul3A_21 = arith.constant 16 : i32
      %mul3A_22 = arith.muli %scan3A_17, %mul3A_21 : i32
      %get3A_23 = arith.index_cast %mul3A_22 : i32 to index
      %get3A_24 = tpu.vector_load %arg7[%get3A_23] {strides = array<i32>} : memref<10240xi32, #tpu.memory_space<vmem>>, vector<16xi32>,
      tpu.vector_store_idx %arg9[%get3A_24], %broadcast_in_dim3A_10 {add = true} : memref<10016xf32, #tpu.memory_space<vmem>>[vector<16xi32>], vector<16xf32>,
    }
    %scan3A_16 = arith.constant 640 : i32
    "tpu.region"() ({
      %run_scoped3A = tpu.sem_alloc : memref<!tpu.dma_semaphore, #tpu.memory_space<semaphore_mem>>
      %dma_start3A = arith.constant 0 : i32
      %dma_start3A_17 = tpu.memref_slice %arg4[%add3A, %dma_start3A] : memref<32x10016xf32, #tpu.memory_space<hbm>> -> memref<1x10016xf32, #tpu.memory_space<hbm>>
      %dma_start3A_18 = tpu.memref_squeeze %dma_start3A_17 : memref<1x10016xf32, #tpu.memory_space<hbm>> -> memref<10016xf32, #tpu.memory_space<hbm>>
      %dma_start3A_19 = arith.constant 0 : i32
      %dma_start3A_20 = tpu.memref_slice %arg4[%add3A, %dma_start3A_19] : memref<32x10016xf32, #tpu.memory_space<hbm>> -> memref<1x10016xf32, #tpu.memory_space<hbm>>
      %dma_start3A_21 = tpu.memref_squeeze %dma_start3A_20 : memref<1x10016xf32, #tpu.memory_space<hbm>> -> memref<10016xf32, #tpu.memory_space<hbm>>
      tpu.enqueue_dma source(%arg8 : memref<10016xf32, #tpu.memory_space<vmem>>) target(%dma_start3A_21 : memref<10016xf32, #tpu.memory_space<hbm>>) target_semaphore(%run_scoped3A : memref<!tpu.dma_semaphore, #tpu.memory_space<semaphore_mem>>)
      %dma_wait3A = arith.constant 0 : i32
      %dma_wait3A_22 = tpu.memref_slice %arg4[%add3A, %dma_wait3A] : memref<32x10016xf32, #tpu.memory_space<hbm>> -> memref<1x10016xf32, #tpu.memory_space<hbm>>
      %dma_wait3A_23 = tpu.memref_squeeze %dma_wait3A_22 : memref<1x10016xf32, #tpu.memory_space<hbm>> -> memref<10016xf32, #tpu.memory_space<hbm>>
      %dma_wait3A_24 = arith.constant 0 : i32
      %dma_wait3A_25 = tpu.memref_slice %arg4[%add3A, %dma_wait3A_24] : memref<32x10016xf32, #tpu.memory_space<hbm>> -> memref<1x10016xf32, #tpu.memory_space<hbm>>
      %dma_wait3A_26 = tpu.memref_squeeze %dma_wait3A_25 : memref<1x10016xf32, #tpu.memory_space<hbm>> -> memref<10016xf32, #tpu.memory_space<hbm>>
      tpu.wait_dma2 semaphore(%run_scoped3A : memref<!tpu.dma_semaphore, #tpu.memory_space<semaphore_mem>>) src(%arg8 : memref<10016xf32, #tpu.memory_space<vmem>>) dst(%dma_wait3A_26 : memref<10016xf32, #tpu.memory_space<hbm>>)
      tpu.yield
    }) : () -> ()
    "tpu.region"() ({
      %run_scoped3A = tpu.sem_alloc : memref<!tpu.dma_semaphore, #tpu.memory_space<semaphore_mem>>
      %dma_start3A = arith.constant 0 : i32
      %dma_start3A_17 = tpu.memref_slice %arg5[%add3A, %dma_start3A] : memref<32x10016xf32, #tpu.memory_space<hbm>> -> memref<1x10016xf32, #tpu.memory_space<hbm>>
      %dma_start3A_18 = tpu.memref_squeeze %dma_start3A_17 : memref<1x10016xf32, #tpu.memory_space<hbm>> -> memref<10016xf32, #tpu.memory_space<hbm>>
      %dma_start3A_19 = arith.constant 0 : i32
      %dma_start3A_20 = tpu.memref_slice %arg5[%add3A, %dma_start3A_19] : memref<32x10016xf32, #tpu.memory_space<hbm>> -> memref<1x10016xf32, #tpu.memory_space<hbm>>
      %dma_start3A_21 = tpu.memref_squeeze %dma_start3A_20 : memref<1x10016xf32, #tpu.memory_space<hbm>> -> memref<10016xf32, #tpu.memory_space<hbm>>
      tpu.enqueue_dma source(%arg9 : memref<10016xf32, #tpu.memory_space<vmem>>) target(%dma_start3A_21 : memref<10016xf32, #tpu.memory_space<hbm>>) target_semaphore(%run_scoped3A : memref<!tpu.dma_semaphore, #tpu.memory_space<semaphore_mem>>)
      %dma_wait3A = arith.constant 0 : i32
      %dma_wait3A_22 = tpu.memref_slice %arg5[%add3A, %dma_wait3A] : memref<32x10016xf32, #tpu.memory_space<hbm>> -> memref<1x10016xf32, #tpu.memory_space<hbm>>
      %dma_wait3A_23 = tpu.memref_squeeze %dma_wait3A_22 : memref<1x10016xf32, #tpu.memory_space<hbm>> -> memref<10016xf32, #tpu.memory_space<hbm>>
      %dma_wait3A_24 = arith.constant 0 : i32
      %dma_wait3A_25 = tpu.memref_slice %arg5[%add3A, %dma_wait3A_24] : memref<32x10016xf32, #tpu.memory_space<hbm>> -> memref<1x10016xf32, #tpu.memory_space<hbm>>
      %dma_wait3A_26 = tpu.memref_squeeze %dma_wait3A_25 : memref<1x10016xf32, #tpu.memory_space<hbm>> -> memref<10016xf32, #tpu.memory_space<hbm>>
      tpu.wait_dma2 semaphore(%run_scoped3A : memref<!tpu.dma_semaphore, #tpu.memory_space<semaphore_mem>>) src(%arg9 : memref<10016xf32, #tpu.memory_space<vmem>>) dst(%dma_wait3A_26 : memref<10016xf32, #tpu.memory_space<hbm>>)
      tpu.yield
    }) : () -> ()
    return
  }
}

#map = affine_map<(d0, d1) -> (0, 0)>
#map1 = affine_map<(d0, d1) -> (0, 0, 0)>
module attributes {stable_mosaic.version = 14 : i64} {
  func.func @_aggregate_body(%arg0: i32, %arg1: i32, %arg2: memref<10016x128xf32, #tpu.memory_space<hbm>>, %arg3: memref<2560x128xi32, #tpu.memory_space<hbm>>, %arg4: memref<2560x128xi32, #tpu.memory_space<hbm>>, %arg5: memref<10016x128xf32, #tpu.memory_space<hbm>>, %arg6: memref<2x10000x128xf32, #tpu.memory_space<hbm>>, %arg7: memref<128xi32, #tpu.memory_space<vmem>>, %arg8: memref<128xi32, #tpu.memory_space<vmem>>, %arg9: memref<80x128xi32, #tpu.memory_space<vmem>>, %arg10: memref<128x128xf32, #tpu.memory_space<vmem>>, %arg11: memref<128x128xf32, #tpu.memory_space<vmem>>, %arg12: memref<!tpu.dma_semaphore, #tpu.memory_space<semaphore_mem>>, %arg13: memref<!tpu.dma_semaphore, #tpu.memory_space<semaphore_mem>>, %arg14: memref<!tpu.dma_semaphore, #tpu.memory_space<semaphore_mem>>, %arg15: memref<!tpu.dma_semaphore, #tpu.memory_space<semaphore_mem>>, %arg16: memref<10016x128xf32, #tpu.memory_space<vmem_shared>>) attributes {dimension_semantics = [#tpu.dimension_semantics<core_parallel>, #tpu.dimension_semantics<subcore_parallel>], iteration_bounds = array<i64: 2, 16>, scalar_prefetch = 0 : i64, scratch_operands = 10 : i64, tpu.core_type = #tpu.core_type<sc_vector_subcore>, window_params = [{transform_indices = #map}, {transform_indices = #map}, {transform_indices = #map}, {transform_indices = #map}, {transform_indices = #map1}]} {
    %mul3A = arith.constant 2 : i32
    %mul3A_0 = arith.muli %arg1, %mul3A : i32
    %add3A = arith.addi %mul3A_0, %arg0 : i32
    "tpu.trace_start"() <{level = 10 : i32, message = "acc_zero"}> : () -> ()
    %mul3A_1 = arith.constant 626 : i32
    %mul3A_2 = arith.muli %arg1, %mul3A_1 : i32
    %mul3A_3 = arith.constant 626 : i32
    %mul3A_4 = arith.muli %arg1, %mul3A_3 : i32
    "tpu.region"() ({
      %run_scoped3A = tpu.sem_alloc : memref<!tpu.dma_semaphore, #tpu.memory_space<semaphore_mem>>
      %dma_start3A = arith.constant 0 : i32
      %dma_start3A_17 = tpu.memref_slice %arg16[%mul3A_4, %dma_start3A] : memref<10016x128xf32, #tpu.memory_space<vmem_shared>> -> memref<626x128xf32, #tpu.memory_space<vmem_shared>>
      %dma_start3A_18 = arith.constant 0 : i32
      %dma_start3A_19 = tpu.memref_slice %arg5[%mul3A_2, %dma_start3A_18] : memref<10016x128xf32, #tpu.memory_space<hbm>> -> memref<626x128xf32, #tpu.memory_space<hbm>>
      tpu.enqueue_dma source(%dma_start3A_19 : memref<626x128xf32, #tpu.memory_space<hbm>>) target(%dma_start3A_17 : memref<626x128xf32, #tpu.memory_space<vmem_shared>>) target_semaphore(%run_scoped3A : memref<!tpu.dma_semaphore, #tpu.memory_space<semaphore_mem>>)
      %dma_wait3A = arith.constant 0 : i32
      %dma_wait3A_20 = tpu.memref_slice %arg16[%mul3A_4, %dma_wait3A] : memref<10016x128xf32, #tpu.memory_space<vmem_shared>> -> memref<626x128xf32, #tpu.memory_space<vmem_shared>>
      %dma_wait3A_21 = arith.constant 0 : i32
      %dma_wait3A_22 = tpu.memref_slice %arg5[%mul3A_2, %dma_wait3A_21] : memref<10016x128xf32, #tpu.memory_space<hbm>> -> memref<626x128xf32, #tpu.memory_space<hbm>>
      tpu.wait_dma2 semaphore(%run_scoped3A : memref<!tpu.dma_semaphore, #tpu.memory_space<semaphore_mem>>) src(%dma_wait3A_22 : memref<626x128xf32, #tpu.memory_space<hbm>>) dst(%dma_wait3A_20 : memref<626x128xf32, #tpu.memory_space<vmem_shared>>)
      tpu.yield
    }) : () -> ()
    %barrier3A = arith.constant 0 : index
    tpu.barrier barrier_id(%barrier3A)
    %eq3A = arith.constant 0 : i32
    "tpu.trace_stop"() : () -> ()
    "tpu.trace_start"() <{level = 10 : i32, message = "pipe"}> : () -> ()
    %eq3A_5 = arith.cmpi eq, %arg0, %eq3A : i32
    %convert_element_type3A = arith.extui %eq3A_5 : i1 to i32
    %cond3A = arith.constant 0 : i32
    %cond3A_6 = arith.cmpi ne, %convert_element_type3A, %cond3A : i32
    scf.if %cond3A_6 {
      %mul3A_17 = arith.constant 80 : i32
      %mul3A_18 = arith.muli %arg1, %mul3A_17 : i32
      %add3A_19 = arith.constant 0 : i32
      %add3A_20 = arith.addi %add3A_19, %mul3A_18 : i32
      "tpu.region"() ({
        %run_scoped3A_41 = tpu.sem_alloc : memref<!tpu.dma_semaphore, #tpu.memory_space<semaphore_mem>>
        %dma_start3A_42 = arith.constant 0 : i32
        %dma_start3A_43 = arith.constant 0 : i32
        %dma_start3A_44 = tpu.memref_slice %arg9[%dma_start3A_42, %dma_start3A_43] : memref<80x128xi32, #tpu.memory_space<vmem>> -> memref<80x128xi32, #tpu.memory_space<vmem>>
        %dma_start3A_45 = arith.constant 0 : i32
        %dma_start3A_46 = tpu.memref_slice %arg4[%add3A_20, %dma_start3A_45] : memref<2560x128xi32, #tpu.memory_space<hbm>> -> memref<80x128xi32, #tpu.memory_space<hbm>>
        %dma_start3A_47 = arith.constant 0 : i32
        %dma_start3A_48 = arith.constant 0 : i32
        %dma_start3A_49 = tpu.memref_slice %arg9[%dma_start3A_47, %dma_start3A_48] : memref<80x128xi32, #tpu.memory_space<vmem>> -> memref<80x128xi32, #tpu.memory_space<vmem>>
        %dma_start3A_50 = arith.constant 0 : i32
        %dma_start3A_51 = tpu.memref_slice %arg4[%add3A_20, %dma_start3A_50] : memref<2560x128xi32, #tpu.memory_space<hbm>> -> memref<80x128xi32, #tpu.memory_space<hbm>>
        tpu.enqueue_dma source(%dma_start3A_51 : memref<80x128xi32, #tpu.memory_space<hbm>>) target(%dma_start3A_49 : memref<80x128xi32, #tpu.memory_space<vmem>>) target_semaphore(%run_scoped3A_41 : memref<!tpu.dma_semaphore, #tpu.memory_space<semaphore_mem>>)
        %dma_wait3A_52 = arith.constant 0 : i32
        %dma_wait3A_53 = arith.constant 0 : i32
        %dma_wait3A_54 = tpu.memref_slice %arg9[%dma_wait3A_52, %dma_wait3A_53] : memref<80x128xi32, #tpu.memory_space<vmem>> -> memref<80x128xi32, #tpu.memory_space<vmem>>
        %dma_wait3A_55 = arith.constant 0 : i32
        %dma_wait3A_56 = tpu.memref_slice %arg4[%add3A_20, %dma_wait3A_55] : memref<2560x128xi32, #tpu.memory_space<hbm>> -> memref<80x128xi32, #tpu.memory_space<hbm>>
        %dma_wait3A_57 = arith.constant 0 : i32
        %dma_wait3A_58 = arith.constant 0 : i32
        %dma_wait3A_59 = tpu.memref_slice %arg9[%dma_wait3A_57, %dma_wait3A_58] : memref<80x128xi32, #tpu.memory_space<vmem>> -> memref<80x128xi32, #tpu.memory_space<vmem>>
        %dma_wait3A_60 = arith.constant 0 : i32
        %dma_wait3A_61 = tpu.memref_slice %arg4[%add3A_20, %dma_wait3A_60] : memref<2560x128xi32, #tpu.memory_space<hbm>> -> memref<80x128xi32, #tpu.memory_space<hbm>>
        tpu.wait_dma2 semaphore(%run_scoped3A_41 : memref<!tpu.dma_semaphore, #tpu.memory_space<semaphore_mem>>) src(%dma_wait3A_61 : memref<80x128xi32, #tpu.memory_space<hbm>>) dst(%dma_wait3A_59 : memref<80x128xi32, #tpu.memory_space<vmem>>)
        tpu.yield
      }) : () -> ()
      %add3A_21 = arith.constant 0 : i32
      %add3A_22 = arith.addi %add3A_20, %add3A_21 : i32
      "tpu.region"() ({
        %run_scoped3A_41 = tpu.sem_alloc : memref<!tpu.dma_semaphore, #tpu.memory_space<semaphore_mem>>
        %dma_start3A_42 = arith.constant 0 : i32
        %dma_start3A_43 = tpu.memref_slice %arg3[%add3A_22, %dma_start3A_42] : memref<2560x128xi32, #tpu.memory_space<hbm>> -> memref<1x128xi32, #tpu.memory_space<hbm>>
        %dma_start3A_44 = tpu.memref_squeeze %dma_start3A_43 : memref<1x128xi32, #tpu.memory_space<hbm>> -> memref<128xi32, #tpu.memory_space<hbm>>
        %dma_start3A_45 = arith.constant 0 : i32
        %dma_start3A_46 = tpu.memref_slice %arg3[%add3A_22, %dma_start3A_45] : memref<2560x128xi32, #tpu.memory_space<hbm>> -> memref<1x128xi32, #tpu.memory_space<hbm>>
        %dma_start3A_47 = tpu.memref_squeeze %dma_start3A_46 : memref<1x128xi32, #tpu.memory_space<hbm>> -> memref<128xi32, #tpu.memory_space<hbm>>
        tpu.enqueue_dma source(%dma_start3A_47 : memref<128xi32, #tpu.memory_space<hbm>>) target(%arg7 : memref<128xi32, #tpu.memory_space<vmem>>) target_semaphore(%run_scoped3A_41 : memref<!tpu.dma_semaphore, #tpu.memory_space<semaphore_mem>>)
        %dma_wait3A_48 = arith.constant 0 : i32
        %dma_wait3A_49 = tpu.memref_slice %arg3[%add3A_22, %dma_wait3A_48] : memref<2560x128xi32, #tpu.memory_space<hbm>> -> memref<1x128xi32, #tpu.memory_space<hbm>>
        %dma_wait3A_50 = tpu.memref_squeeze %dma_wait3A_49 : memref<1x128xi32, #tpu.memory_space<hbm>> -> memref<128xi32, #tpu.memory_space<hbm>>
        %dma_wait3A_51 = arith.constant 0 : i32
        %dma_wait3A_52 = tpu.memref_slice %arg3[%add3A_22, %dma_wait3A_51] : memref<2560x128xi32, #tpu.memory_space<hbm>> -> memref<1x128xi32, #tpu.memory_space<hbm>>
        %dma_wait3A_53 = tpu.memref_squeeze %dma_wait3A_52 : memref<1x128xi32, #tpu.memory_space<hbm>> -> memref<128xi32, #tpu.memory_space<hbm>>
        tpu.wait_dma2 semaphore(%run_scoped3A_41 : memref<!tpu.dma_semaphore, #tpu.memory_space<semaphore_mem>>) src(%dma_wait3A_53 : memref<128xi32, #tpu.memory_space<hbm>>) dst(%arg7 : memref<128xi32, #tpu.memory_space<vmem>>)
        tpu.yield
      }) : () -> ()
      %dma_start3A = arith.constant 0 : i32
      %dma_start3A_23 = arith.constant 0 : i32
      %dma_start3A_24 = tpu.memref_slice %arg2[%dma_start3A, %dma_start3A_23] : memref<10016x128xf32, #tpu.memory_space<hbm>> -> memref<10016x128xf32, #tpu.memory_space<hbm>>
      tpu.enqueue_indirect_dma source(%dma_start3A_24 : memref<10016x128xf32, #tpu.memory_space<hbm>>) target(%arg10 : memref<128x128xf32, #tpu.memory_space<vmem>>) offsets(%arg7 : memref<128xi32, #tpu.memory_space<vmem>>) semaphore(%arg12 : memref<!tpu.dma_semaphore, #tpu.memory_space<semaphore_mem>>)
      %add3A_25 = arith.constant 1 : i32
      %add3A_26 = arith.addi %add3A_20, %add3A_25 : i32
      "tpu.region"() ({
        %run_scoped3A_41 = tpu.sem_alloc : memref<!tpu.dma_semaphore, #tpu.memory_space<semaphore_mem>>
        %dma_start3A_42 = arith.constant 0 : i32
        %dma_start3A_43 = tpu.memref_slice %arg3[%add3A_26, %dma_start3A_42] : memref<2560x128xi32, #tpu.memory_space<hbm>> -> memref<1x128xi32, #tpu.memory_space<hbm>>
        %dma_start3A_44 = tpu.memref_squeeze %dma_start3A_43 : memref<1x128xi32, #tpu.memory_space<hbm>> -> memref<128xi32, #tpu.memory_space<hbm>>
        %dma_start3A_45 = arith.constant 0 : i32
        %dma_start3A_46 = tpu.memref_slice %arg3[%add3A_26, %dma_start3A_45] : memref<2560x128xi32, #tpu.memory_space<hbm>> -> memref<1x128xi32, #tpu.memory_space<hbm>>
        %dma_start3A_47 = tpu.memref_squeeze %dma_start3A_46 : memref<1x128xi32, #tpu.memory_space<hbm>> -> memref<128xi32, #tpu.memory_space<hbm>>
        tpu.enqueue_dma source(%dma_start3A_47 : memref<128xi32, #tpu.memory_space<hbm>>) target(%arg8 : memref<128xi32, #tpu.memory_space<vmem>>) target_semaphore(%run_scoped3A_41 : memref<!tpu.dma_semaphore, #tpu.memory_space<semaphore_mem>>)
        %dma_wait3A_48 = arith.constant 0 : i32
        %dma_wait3A_49 = tpu.memref_slice %arg3[%add3A_26, %dma_wait3A_48] : memref<2560x128xi32, #tpu.memory_space<hbm>> -> memref<1x128xi32, #tpu.memory_space<hbm>>
        %dma_wait3A_50 = tpu.memref_squeeze %dma_wait3A_49 : memref<1x128xi32, #tpu.memory_space<hbm>> -> memref<128xi32, #tpu.memory_space<hbm>>
        %dma_wait3A_51 = arith.constant 0 : i32
        %dma_wait3A_52 = tpu.memref_slice %arg3[%add3A_26, %dma_wait3A_51] : memref<2560x128xi32, #tpu.memory_space<hbm>> -> memref<1x128xi32, #tpu.memory_space<hbm>>
        %dma_wait3A_53 = tpu.memref_squeeze %dma_wait3A_52 : memref<1x128xi32, #tpu.memory_space<hbm>> -> memref<128xi32, #tpu.memory_space<hbm>>
        tpu.wait_dma2 semaphore(%run_scoped3A_41 : memref<!tpu.dma_semaphore, #tpu.memory_space<semaphore_mem>>) src(%dma_wait3A_53 : memref<128xi32, #tpu.memory_space<hbm>>) dst(%arg8 : memref<128xi32, #tpu.memory_space<vmem>>)
        tpu.yield
      }) : () -> ()
      %dma_start3A_27 = arith.constant 0 : i32
      %dma_start3A_28 = arith.constant 0 : i32
      %dma_start3A_29 = tpu.memref_slice %arg2[%dma_start3A_27, %dma_start3A_28] : memref<10016x128xf32, #tpu.memory_space<hbm>> -> memref<10016x128xf32, #tpu.memory_space<hbm>>
      tpu.enqueue_indirect_dma source(%dma_start3A_29 : memref<10016x128xf32, #tpu.memory_space<hbm>>) target(%arg11 : memref<128x128xf32, #tpu.memory_space<vmem>>) offsets(%arg8 : memref<128xi32, #tpu.memory_space<vmem>>) semaphore(%arg13 : memref<!tpu.dma_semaphore, #tpu.memory_space<semaphore_mem>>)
      %scan3A = arith.constant 0 : i32
      %scan3A_30 = arith.constant 0 : i32
      %scan3A_31 = arith.constant 39 : i32
      %scan3A_32 = arith.addi %scan3A_30, %scan3A_31 : i32
      %scan3A_33 = arith.constant 1 : i32
      scf.for %scan3A_41 = %scan3A_30 to %scan3A_32 step %scan3A_33  : i32 {
        %mul3A_42 = arith.constant 2 : i32
        %mul3A_43 = arith.muli %scan3A_41, %mul3A_42 : i32
        %add3A_44 = arith.constant 0 : i32
        %add3A_45 = arith.addi %mul3A_43, %add3A_44 : i32
        %dma_wait3A_46 = arith.constant 0 : i32
        %dma_wait3A_47 = arith.constant 0 : i32
        %dma_wait3A_48 = tpu.memref_slice %arg2[%dma_wait3A_46, %dma_wait3A_47] : memref<10016x128xf32, #tpu.memory_space<hbm>> -> memref<10016x128xf32, #tpu.memory_space<hbm>>
        tpu.wait_indirect_dma semaphore(%arg12 : memref<!tpu.dma_semaphore, #tpu.memory_space<semaphore_mem>>) src(%dma_wait3A_48 : memref<10016x128xf32, #tpu.memory_space<hbm>>) dst(%arg10 : memref<128x128xf32, #tpu.memory_space<vmem>>)
        %add3A_49 = arith.addi %add3A_20, %add3A_45 : i32
        %add3A_50 = arith.constant 2 : i32
        %add3A_51 = arith.addi %add3A_49, %add3A_50 : i32
        %dma_start3A_52 = arith.constant 0 : i32
        %dma_start3A_53 = tpu.memref_slice %arg3[%add3A_51, %dma_start3A_52] : memref<2560x128xi32, #tpu.memory_space<hbm>> -> memref<1x128xi32, #tpu.memory_space<hbm>>
        %dma_start3A_54 = tpu.memref_squeeze %dma_start3A_53 : memref<1x128xi32, #tpu.memory_space<hbm>> -> memref<128xi32, #tpu.memory_space<hbm>>
        %dma_start3A_55 = arith.constant 0 : i32
        %dma_start3A_56 = tpu.memref_slice %arg3[%add3A_51, %dma_start3A_55] : memref<2560x128xi32, #tpu.memory_space<hbm>> -> memref<1x128xi32, #tpu.memory_space<hbm>>
        %dma_start3A_57 = tpu.memref_squeeze %dma_start3A_56 : memref<1x128xi32, #tpu.memory_space<hbm>> -> memref<128xi32, #tpu.memory_space<hbm>>
        tpu.enqueue_dma source(%dma_start3A_57 : memref<128xi32, #tpu.memory_space<hbm>>) target(%arg7 : memref<128xi32, #tpu.memory_space<vmem>>) target_semaphore(%arg14 : memref<!tpu.dma_semaphore, #tpu.memory_space<semaphore_mem>>)
        "tpu.region"() ({
          %run_scoped3A_92 = tpu.sem_alloc : memref<!tpu.dma_semaphore, #tpu.memory_space<semaphore_mem>>
          %dma_start3A_93 = arith.constant 0 : i32
          %dma_start3A_94 = tpu.memref_slice %arg9[%add3A_45, %dma_start3A_93] : memref<80x128xi32, #tpu.memory_space<vmem>> -> memref<1x128xi32, #tpu.memory_space<vmem>>
          %dma_start3A_95 = tpu.memref_squeeze %dma_start3A_94 : memref<1x128xi32, #tpu.memory_space<vmem>> -> memref<128xi32, #tpu.memory_space<vmem>>
          %dma_start3A_96 = arith.constant 0 : i32
          %dma_start3A_97 = arith.constant 0 : i32
          %dma_start3A_98 = tpu.memref_slice %arg16[%dma_start3A_96, %dma_start3A_97] : memref<10016x128xf32, #tpu.memory_space<vmem_shared>> -> memref<10016x128xf32, #tpu.memory_space<vmem_shared>>
          tpu.enqueue_indirect_dma source(%arg10 : memref<128x128xf32, #tpu.memory_space<vmem>>) target(%dma_start3A_98 : memref<10016x128xf32, #tpu.memory_space<vmem_shared>>) offsets(%dma_start3A_95 : memref<128xi32, #tpu.memory_space<vmem>>) semaphore(%run_scoped3A_92 : memref<!tpu.dma_semaphore, #tpu.memory_space<semaphore_mem>>) {add = true}
          %dma_wait3A_99 = arith.constant 0 : i32
          %dma_wait3A_100 = tpu.memref_slice %arg9[%add3A_45, %dma_wait3A_99] : memref<80x128xi32, #tpu.memory_space<vmem>> -> memref<1x128xi32, #tpu.memory_space<vmem>>
          %dma_wait3A_101 = tpu.memref_squeeze %dma_wait3A_100 : memref<1x128xi32, #tpu.memory_space<vmem>> -> memref<128xi32, #tpu.memory_space<vmem>>
          %dma_wait3A_102 = arith.constant 0 : i32
          %dma_wait3A_103 = arith.constant 0 : i32
          %dma_wait3A_104 = tpu.memref_slice %arg16[%dma_wait3A_102, %dma_wait3A_103] : memref<10016x128xf32, #tpu.memory_space<vmem_shared>> -> memref<10016x128xf32, #tpu.memory_space<vmem_shared>>
          tpu.wait_indirect_dma semaphore(%run_scoped3A_92 : memref<!tpu.dma_semaphore, #tpu.memory_space<semaphore_mem>>) src(%arg10 : memref<128x128xf32, #tpu.memory_space<vmem>>) dst(%dma_wait3A_104 : memref<10016x128xf32, #tpu.memory_space<vmem_shared>>)
          tpu.yield
        }) : () -> ()
        %dma_wait3A_58 = arith.constant 0 : i32
        %dma_wait3A_59 = arith.constant 0 : i32
        %dma_wait3A_60 = tpu.memref_slice %arg3[%dma_wait3A_58, %dma_wait3A_59] : memref<2560x128xi32, #tpu.memory_space<hbm>> -> memref<1x128xi32, #tpu.memory_space<hbm>>
        %dma_wait3A_61 = tpu.memref_squeeze %dma_wait3A_60 : memref<1x128xi32, #tpu.memory_space<hbm>> -> memref<128xi32, #tpu.memory_space<hbm>>
        %dma_wait3A_62 = arith.constant 0 : i32
        %dma_wait3A_63 = tpu.memref_slice %arg3[%dma_wait3A_58, %dma_wait3A_62] : memref<2560x128xi32, #tpu.memory_space<hbm>> -> memref<1x128xi32, #tpu.memory_space<hbm>>
        %dma_wait3A_64 = tpu.memref_squeeze %dma_wait3A_63 : memref<1x128xi32, #tpu.memory_space<hbm>> -> memref<128xi32, #tpu.memory_space<hbm>>
        tpu.wait_dma2 semaphore(%arg14 : memref<!tpu.dma_semaphore, #tpu.memory_space<semaphore_mem>>) src(%dma_wait3A_64 : memref<128xi32, #tpu.memory_space<hbm>>) dst(%arg7 : memref<128xi32, #tpu.memory_space<vmem>>)
        %dma_start3A_65 = arith.constant 0 : i32
        %dma_start3A_66 = arith.constant 0 : i32
        %dma_start3A_67 = tpu.memref_slice %arg2[%dma_start3A_65, %dma_start3A_66] : memref<10016x128xf32, #tpu.memory_space<hbm>> -> memref<10016x128xf32, #tpu.memory_space<hbm>>
        tpu.enqueue_indirect_dma source(%dma_start3A_67 : memref<10016x128xf32, #tpu.memory_space<hbm>>) target(%arg10 : memref<128x128xf32, #tpu.memory_space<vmem>>) offsets(%arg7 : memref<128xi32, #tpu.memory_space<vmem>>) semaphore(%arg12 : memref<!tpu.dma_semaphore, #tpu.memory_space<semaphore_mem>>)
        %add3A_68 = arith.constant 1 : i32
        %add3A_69 = arith.addi %mul3A_43, %add3A_68 : i32
        %dma_wait3A_70 = arith.constant 0 : i32
        %dma_wait3A_71 = arith.constant 0 : i32
        %dma_wait3A_72 = tpu.memref_slice %arg2[%dma_wait3A_70, %dma_wait3A_71] : memref<10016x128xf32, #tpu.memory_space<hbm>> -> memref<10016x128xf32, #tpu.memory_space<hbm>>
        tpu.wait_indirect_dma semaphore(%arg13 : memref<!tpu.dma_semaphore, #tpu.memory_space<semaphore_mem>>) src(%dma_wait3A_72 : memref<10016x128xf32, #tpu.memory_space<hbm>>) dst(%arg11 : memref<128x128xf32, #tpu.memory_space<vmem>>)
        %add3A_73 = arith.addi %add3A_20, %add3A_69 : i32
        %add3A_74 = arith.constant 2 : i32
        %add3A_75 = arith.addi %add3A_73, %add3A_74 : i32
        %dma_start3A_76 = arith.constant 0 : i32
        %dma_start3A_77 = tpu.memref_slice %arg3[%add3A_75, %dma_start3A_76] : memref<2560x128xi32, #tpu.memory_space<hbm>> -> memref<1x128xi32, #tpu.memory_space<hbm>>
        %dma_start3A_78 = tpu.memref_squeeze %dma_start3A_77 : memref<1x128xi32, #tpu.memory_space<hbm>> -> memref<128xi32, #tpu.memory_space<hbm>>
        %dma_start3A_79 = arith.constant 0 : i32
        %dma_start3A_80 = tpu.memref_slice %arg3[%add3A_75, %dma_start3A_79] : memref<2560x128xi32, #tpu.memory_space<hbm>> -> memref<1x128xi32, #tpu.memory_space<hbm>>
        %dma_start3A_81 = tpu.memref_squeeze %dma_start3A_80 : memref<1x128xi32, #tpu.memory_space<hbm>> -> memref<128xi32, #tpu.memory_space<hbm>>
        tpu.enqueue_dma source(%dma_start3A_81 : memref<128xi32, #tpu.memory_space<hbm>>) target(%arg8 : memref<128xi32, #tpu.memory_space<vmem>>) target_semaphore(%arg15 : memref<!tpu.dma_semaphore, #tpu.memory_space<semaphore_mem>>)
        "tpu.region"() ({
          %run_scoped3A_92 = tpu.sem_alloc : memref<!tpu.dma_semaphore, #tpu.memory_space<semaphore_mem>>
          %dma_start3A_93 = arith.constant 0 : i32
          %dma_start3A_94 = tpu.memref_slice %arg9[%add3A_69, %dma_start3A_93] : memref<80x128xi32, #tpu.memory_space<vmem>> -> memref<1x128xi32, #tpu.memory_space<vmem>>
          %dma_start3A_95 = tpu.memref_squeeze %dma_start3A_94 : memref<1x128xi32, #tpu.memory_space<vmem>> -> memref<128xi32, #tpu.memory_space<vmem>>
          %dma_start3A_96 = arith.constant 0 : i32
          %dma_start3A_97 = arith.constant 0 : i32
          %dma_start3A_98 = tpu.memref_slice %arg16[%dma_start3A_96, %dma_start3A_97] : memref<10016x128xf32, #tpu.memory_space<vmem_shared>> -> memref<10016x128xf32, #tpu.memory_space<vmem_shared>>
          tpu.enqueue_indirect_dma source(%arg11 : memref<128x128xf32, #tpu.memory_space<vmem>>) target(%dma_start3A_98 : memref<10016x128xf32, #tpu.memory_space<vmem_shared>>) offsets(%dma_start3A_95 : memref<128xi32, #tpu.memory_space<vmem>>) semaphore(%run_scoped3A_92 : memref<!tpu.dma_semaphore, #tpu.memory_space<semaphore_mem>>) {add = true}
          %dma_wait3A_99 = arith.constant 0 : i32
          %dma_wait3A_100 = tpu.memref_slice %arg9[%add3A_69, %dma_wait3A_99] : memref<80x128xi32, #tpu.memory_space<vmem>> -> memref<1x128xi32, #tpu.memory_space<vmem>>
          %dma_wait3A_101 = tpu.memref_squeeze %dma_wait3A_100 : memref<1x128xi32, #tpu.memory_space<vmem>> -> memref<128xi32, #tpu.memory_space<vmem>>
          %dma_wait3A_102 = arith.constant 0 : i32
          %dma_wait3A_103 = arith.constant 0 : i32
          %dma_wait3A_104 = tpu.memref_slice %arg16[%dma_wait3A_102, %dma_wait3A_103] : memref<10016x128xf32, #tpu.memory_space<vmem_shared>> -> memref<10016x128xf32, #tpu.memory_space<vmem_shared>>
          tpu.wait_indirect_dma semaphore(%run_scoped3A_92 : memref<!tpu.dma_semaphore, #tpu.memory_space<semaphore_mem>>) src(%arg11 : memref<128x128xf32, #tpu.memory_space<vmem>>) dst(%dma_wait3A_104 : memref<10016x128xf32, #tpu.memory_space<vmem_shared>>)
          tpu.yield
        }) : () -> ()
        %dma_wait3A_82 = arith.constant 0 : i32
        %dma_wait3A_83 = arith.constant 0 : i32
        %dma_wait3A_84 = tpu.memref_slice %arg3[%dma_wait3A_82, %dma_wait3A_83] : memref<2560x128xi32, #tpu.memory_space<hbm>> -> memref<1x128xi32, #tpu.memory_space<hbm>>
        %dma_wait3A_85 = tpu.memref_squeeze %dma_wait3A_84 : memref<1x128xi32, #tpu.memory_space<hbm>> -> memref<128xi32, #tpu.memory_space<hbm>>
        %dma_wait3A_86 = arith.constant 0 : i32
        %dma_wait3A_87 = tpu.memref_slice %arg3[%dma_wait3A_82, %dma_wait3A_86] : memref<2560x128xi32, #tpu.memory_space<hbm>> -> memref<1x128xi32, #tpu.memory_space<hbm>>
        %dma_wait3A_88 = tpu.memref_squeeze %dma_wait3A_87 : memref<1x128xi32, #tpu.memory_space<hbm>> -> memref<128xi32, #tpu.memory_space<hbm>>
        tpu.wait_dma2 semaphore(%arg15 : memref<!tpu.dma_semaphore, #tpu.memory_space<semaphore_mem>>) src(%dma_wait3A_88 : memref<128xi32, #tpu.memory_space<hbm>>) dst(%arg8 : memref<128xi32, #tpu.memory_space<vmem>>)
        %dma_start3A_89 = arith.constant 0 : i32
        %dma_start3A_90 = arith.constant 0 : i32
        %dma_start3A_91 = tpu.memref_slice %arg2[%dma_start3A_89, %dma_start3A_90] : memref<10016x128xf32, #tpu.memory_space<hbm>> -> memref<10016x128xf32, #tpu.memory_space<hbm>>
        tpu.enqueue_indirect_dma source(%dma_start3A_91 : memref<10016x128xf32, #tpu.memory_space<hbm>>) target(%arg11 : memref<128x128xf32, #tpu.memory_space<vmem>>) offsets(%arg8 : memref<128xi32, #tpu.memory_space<vmem>>) semaphore(%arg13 : memref<!tpu.dma_semaphore, #tpu.memory_space<semaphore_mem>>)
      }
      %scan3A_34 = arith.constant 39 : i32
      %dma_wait3A = arith.constant 0 : i32
      %dma_wait3A_35 = arith.constant 0 : i32
      %dma_wait3A_36 = tpu.memref_slice %arg2[%dma_wait3A, %dma_wait3A_35] : memref<10016x128xf32, #tpu.memory_space<hbm>> -> memref<10016x128xf32, #tpu.memory_space<hbm>>
      tpu.wait_indirect_dma semaphore(%arg12 : memref<!tpu.dma_semaphore, #tpu.memory_space<semaphore_mem>>) src(%dma_wait3A_36 : memref<10016x128xf32, #tpu.memory_space<hbm>>) dst(%arg10 : memref<128x128xf32, #tpu.memory_space<vmem>>)
      %run_scoped3A = arith.constant 78 : i32
      "tpu.region"() ({
        %run_scoped3A_41 = tpu.sem_alloc : memref<!tpu.dma_semaphore, #tpu.memory_space<semaphore_mem>>
        %dma_start3A_42 = arith.constant 0 : i32
        %dma_start3A_43 = tpu.memref_slice %arg9[%run_scoped3A, %dma_start3A_42] : memref<80x128xi32, #tpu.memory_space<vmem>> -> memref<1x128xi32, #tpu.memory_space<vmem>>
        %dma_start3A_44 = tpu.memref_squeeze %dma_start3A_43 : memref<1x128xi32, #tpu.memory_space<vmem>> -> memref<128xi32, #tpu.memory_space<vmem>>
        %dma_start3A_45 = arith.constant 0 : i32
        %dma_start3A_46 = arith.constant 0 : i32
        %dma_start3A_47 = tpu.memref_slice %arg16[%dma_start3A_45, %dma_start3A_46] : memref<10016x128xf32, #tpu.memory_space<vmem_shared>> -> memref<10016x128xf32, #tpu.memory_space<vmem_shared>>
        tpu.enqueue_indirect_dma source(%arg10 : memref<128x128xf32, #tpu.memory_space<vmem>>) target(%dma_start3A_47 : memref<10016x128xf32, #tpu.memory_space<vmem_shared>>) offsets(%dma_start3A_44 : memref<128xi32, #tpu.memory_space<vmem>>) semaphore(%run_scoped3A_41 : memref<!tpu.dma_semaphore, #tpu.memory_space<semaphore_mem>>) {add = true}
        %dma_wait3A_48 = arith.constant 0 : i32
        %dma_wait3A_49 = tpu.memref_slice %arg9[%run_scoped3A, %dma_wait3A_48] : memref<80x128xi32, #tpu.memory_space<vmem>> -> memref<1x128xi32, #tpu.memory_space<vmem>>
        %dma_wait3A_50 = tpu.memref_squeeze %dma_wait3A_49 : memref<1x128xi32, #tpu.memory_space<vmem>> -> memref<128xi32, #tpu.memory_space<vmem>>
        %dma_wait3A_51 = arith.constant 0 : i32
        %dma_wait3A_52 = arith.constant 0 : i32
        %dma_wait3A_53 = tpu.memref_slice %arg16[%dma_wait3A_51, %dma_wait3A_52] : memref<10016x128xf32, #tpu.memory_space<vmem_shared>> -> memref<10016x128xf32, #tpu.memory_space<vmem_shared>>
        tpu.wait_indirect_dma semaphore(%run_scoped3A_41 : memref<!tpu.dma_semaphore, #tpu.memory_space<semaphore_mem>>) src(%arg10 : memref<128x128xf32, #tpu.memory_space<vmem>>) dst(%dma_wait3A_53 : memref<10016x128xf32, #tpu.memory_space<vmem_shared>>)
        tpu.yield
      }) : () -> ()
      %dma_wait3A_37 = arith.constant 0 : i32
      %dma_wait3A_38 = arith.constant 0 : i32
      %dma_wait3A_39 = tpu.memref_slice %arg2[%dma_wait3A_37, %dma_wait3A_38] : memref<10016x128xf32, #tpu.memory_space<hbm>> -> memref<10016x128xf32, #tpu.memory_space<hbm>>
      tpu.wait_indirect_dma semaphore(%arg13 : memref<!tpu.dma_semaphore, #tpu.memory_space<semaphore_mem>>) src(%dma_wait3A_39 : memref<10016x128xf32, #tpu.memory_space<hbm>>) dst(%arg11 : memref<128x128xf32, #tpu.memory_space<vmem>>)
      %run_scoped3A_40 = arith.constant 79 : i32
      "tpu.region"() ({
        %run_scoped3A_41 = tpu.sem_alloc : memref<!tpu.dma_semaphore, #tpu.memory_space<semaphore_mem>>
        %dma_start3A_42 = arith.constant 0 : i32
        %dma_start3A_43 = tpu.memref_slice %arg9[%run_scoped3A_40, %dma_start3A_42] : memref<80x128xi32, #tpu.memory_space<vmem>> -> memref<1x128xi32, #tpu.memory_space<vmem>>
        %dma_start3A_44 = tpu.memref_squeeze %dma_start3A_43 : memref<1x128xi32, #tpu.memory_space<vmem>> -> memref<128xi32, #tpu.memory_space<vmem>>
        %dma_start3A_45 = arith.constant 0 : i32
        %dma_start3A_46 = arith.constant 0 : i32
        %dma_start3A_47 = tpu.memref_slice %arg16[%dma_start3A_45, %dma_start3A_46] : memref<10016x128xf32, #tpu.memory_space<vmem_shared>> -> memref<10016x128xf32, #tpu.memory_space<vmem_shared>>
        tpu.enqueue_indirect_dma source(%arg11 : memref<128x128xf32, #tpu.memory_space<vmem>>) target(%dma_start3A_47 : memref<10016x128xf32, #tpu.memory_space<vmem_shared>>) offsets(%dma_start3A_44 : memref<128xi32, #tpu.memory_space<vmem>>) semaphore(%run_scoped3A_41 : memref<!tpu.dma_semaphore, #tpu.memory_space<semaphore_mem>>) {add = true}
        %dma_wait3A_48 = arith.constant 0 : i32
        %dma_wait3A_49 = tpu.memref_slice %arg9[%run_scoped3A_40, %dma_wait3A_48] : memref<80x128xi32, #tpu.memory_space<vmem>> -> memref<1x128xi32, #tpu.memory_space<vmem>>
        %dma_wait3A_50 = tpu.memref_squeeze %dma_wait3A_49 : memref<1x128xi32, #tpu.memory_space<vmem>> -> memref<128xi32, #tpu.memory_space<vmem>>
        %dma_wait3A_51 = arith.constant 0 : i32
        %dma_wait3A_52 = arith.constant 0 : i32
        %dma_wait3A_53 = tpu.memref_slice %arg16[%dma_wait3A_51, %dma_wait3A_52] : memref<10016x128xf32, #tpu.memory_space<vmem_shared>> -> memref<10016x128xf32, #tpu.memory_space<vmem_shared>>
        tpu.wait_indirect_dma semaphore(%run_scoped3A_41 : memref<!tpu.dma_semaphore, #tpu.memory_space<semaphore_mem>>) src(%arg11 : memref<128x128xf32, #tpu.memory_space<vmem>>) dst(%dma_wait3A_53 : memref<10016x128xf32, #tpu.memory_space<vmem_shared>>)
        tpu.yield
      }) : () -> ()
    } else {
    }
    %eq3A_7 = arith.constant 1 : i32
    %eq3A_8 = arith.cmpi eq, %arg0, %eq3A_7 : i32
    %convert_element_type3A_9 = arith.extui %eq3A_8 : i1 to i32
    %cond3A_10 = arith.constant 0 : i32
    %cond3A_11 = arith.cmpi ne, %convert_element_type3A_9, %cond3A_10 : i32
    scf.if %cond3A_11 {
      %mul3A_17 = arith.constant 80 : i32
      %mul3A_18 = arith.muli %arg1, %mul3A_17 : i32
      %add3A_19 = arith.constant 1280 : i32
      %add3A_20 = arith.addi %add3A_19, %mul3A_18 : i32
      "tpu.region"() ({
        %run_scoped3A_41 = tpu.sem_alloc : memref<!tpu.dma_semaphore, #tpu.memory_space<semaphore_mem>>
        %dma_start3A_42 = arith.constant 0 : i32
        %dma_start3A_43 = arith.constant 0 : i32
        %dma_start3A_44 = tpu.memref_slice %arg9[%dma_start3A_42, %dma_start3A_43] : memref<80x128xi32, #tpu.memory_space<vmem>> -> memref<80x128xi32, #tpu.memory_space<vmem>>
        %dma_start3A_45 = arith.constant 0 : i32
        %dma_start3A_46 = tpu.memref_slice %arg4[%add3A_20, %dma_start3A_45] : memref<2560x128xi32, #tpu.memory_space<hbm>> -> memref<80x128xi32, #tpu.memory_space<hbm>>
        %dma_start3A_47 = arith.constant 0 : i32
        %dma_start3A_48 = arith.constant 0 : i32
        %dma_start3A_49 = tpu.memref_slice %arg9[%dma_start3A_47, %dma_start3A_48] : memref<80x128xi32, #tpu.memory_space<vmem>> -> memref<80x128xi32, #tpu.memory_space<vmem>>
        %dma_start3A_50 = arith.constant 0 : i32
        %dma_start3A_51 = tpu.memref_slice %arg4[%add3A_20, %dma_start3A_50] : memref<2560x128xi32, #tpu.memory_space<hbm>> -> memref<80x128xi32, #tpu.memory_space<hbm>>
        tpu.enqueue_dma source(%dma_start3A_51 : memref<80x128xi32, #tpu.memory_space<hbm>>) target(%dma_start3A_49 : memref<80x128xi32, #tpu.memory_space<vmem>>) target_semaphore(%run_scoped3A_41 : memref<!tpu.dma_semaphore, #tpu.memory_space<semaphore_mem>>)
        %dma_wait3A_52 = arith.constant 0 : i32
        %dma_wait3A_53 = arith.constant 0 : i32
        %dma_wait3A_54 = tpu.memref_slice %arg9[%dma_wait3A_52, %dma_wait3A_53] : memref<80x128xi32, #tpu.memory_space<vmem>> -> memref<80x128xi32, #tpu.memory_space<vmem>>
        %dma_wait3A_55 = arith.constant 0 : i32
        %dma_wait3A_56 = tpu.memref_slice %arg4[%add3A_20, %dma_wait3A_55] : memref<2560x128xi32, #tpu.memory_space<hbm>> -> memref<80x128xi32, #tpu.memory_space<hbm>>
        %dma_wait3A_57 = arith.constant 0 : i32
        %dma_wait3A_58 = arith.constant 0 : i32
        %dma_wait3A_59 = tpu.memref_slice %arg9[%dma_wait3A_57, %dma_wait3A_58] : memref<80x128xi32, #tpu.memory_space<vmem>> -> memref<80x128xi32, #tpu.memory_space<vmem>>
        %dma_wait3A_60 = arith.constant 0 : i32
        %dma_wait3A_61 = tpu.memref_slice %arg4[%add3A_20, %dma_wait3A_60] : memref<2560x128xi32, #tpu.memory_space<hbm>> -> memref<80x128xi32, #tpu.memory_space<hbm>>
        tpu.wait_dma2 semaphore(%run_scoped3A_41 : memref<!tpu.dma_semaphore, #tpu.memory_space<semaphore_mem>>) src(%dma_wait3A_61 : memref<80x128xi32, #tpu.memory_space<hbm>>) dst(%dma_wait3A_59 : memref<80x128xi32, #tpu.memory_space<vmem>>)
        tpu.yield
      }) : () -> ()
      %add3A_21 = arith.constant 0 : i32
      %add3A_22 = arith.addi %add3A_20, %add3A_21 : i32
      "tpu.region"() ({
        %run_scoped3A_41 = tpu.sem_alloc : memref<!tpu.dma_semaphore, #tpu.memory_space<semaphore_mem>>
        %dma_start3A_42 = arith.constant 0 : i32
        %dma_start3A_43 = tpu.memref_slice %arg3[%add3A_22, %dma_start3A_42] : memref<2560x128xi32, #tpu.memory_space<hbm>> -> memref<1x128xi32, #tpu.memory_space<hbm>>
        %dma_start3A_44 = tpu.memref_squeeze %dma_start3A_43 : memref<1x128xi32, #tpu.memory_space<hbm>> -> memref<128xi32, #tpu.memory_space<hbm>>
        %dma_start3A_45 = arith.constant 0 : i32
        %dma_start3A_46 = tpu.memref_slice %arg3[%add3A_22, %dma_start3A_45] : memref<2560x128xi32, #tpu.memory_space<hbm>> -> memref<1x128xi32, #tpu.memory_space<hbm>>
        %dma_start3A_47 = tpu.memref_squeeze %dma_start3A_46 : memref<1x128xi32, #tpu.memory_space<hbm>> -> memref<128xi32, #tpu.memory_space<hbm>>
        tpu.enqueue_dma source(%dma_start3A_47 : memref<128xi32, #tpu.memory_space<hbm>>) target(%arg7 : memref<128xi32, #tpu.memory_space<vmem>>) target_semaphore(%run_scoped3A_41 : memref<!tpu.dma_semaphore, #tpu.memory_space<semaphore_mem>>)
        %dma_wait3A_48 = arith.constant 0 : i32
        %dma_wait3A_49 = tpu.memref_slice %arg3[%add3A_22, %dma_wait3A_48] : memref<2560x128xi32, #tpu.memory_space<hbm>> -> memref<1x128xi32, #tpu.memory_space<hbm>>
        %dma_wait3A_50 = tpu.memref_squeeze %dma_wait3A_49 : memref<1x128xi32, #tpu.memory_space<hbm>> -> memref<128xi32, #tpu.memory_space<hbm>>
        %dma_wait3A_51 = arith.constant 0 : i32
        %dma_wait3A_52 = tpu.memref_slice %arg3[%add3A_22, %dma_wait3A_51] : memref<2560x128xi32, #tpu.memory_space<hbm>> -> memref<1x128xi32, #tpu.memory_space<hbm>>
        %dma_wait3A_53 = tpu.memref_squeeze %dma_wait3A_52 : memref<1x128xi32, #tpu.memory_space<hbm>> -> memref<128xi32, #tpu.memory_space<hbm>>
        tpu.wait_dma2 semaphore(%run_scoped3A_41 : memref<!tpu.dma_semaphore, #tpu.memory_space<semaphore_mem>>) src(%dma_wait3A_53 : memref<128xi32, #tpu.memory_space<hbm>>) dst(%arg7 : memref<128xi32, #tpu.memory_space<vmem>>)
        tpu.yield
      }) : () -> ()
      %dma_start3A = arith.constant 0 : i32
      %dma_start3A_23 = arith.constant 0 : i32
      %dma_start3A_24 = tpu.memref_slice %arg2[%dma_start3A, %dma_start3A_23] : memref<10016x128xf32, #tpu.memory_space<hbm>> -> memref<10016x128xf32, #tpu.memory_space<hbm>>
      tpu.enqueue_indirect_dma source(%dma_start3A_24 : memref<10016x128xf32, #tpu.memory_space<hbm>>) target(%arg10 : memref<128x128xf32, #tpu.memory_space<vmem>>) offsets(%arg7 : memref<128xi32, #tpu.memory_space<vmem>>) semaphore(%arg12 : memref<!tpu.dma_semaphore, #tpu.memory_space<semaphore_mem>>)
      %add3A_25 = arith.constant 1 : i32
      %add3A_26 = arith.addi %add3A_20, %add3A_25 : i32
      "tpu.region"() ({
        %run_scoped3A_41 = tpu.sem_alloc : memref<!tpu.dma_semaphore, #tpu.memory_space<semaphore_mem>>
        %dma_start3A_42 = arith.constant 0 : i32
        %dma_start3A_43 = tpu.memref_slice %arg3[%add3A_26, %dma_start3A_42] : memref<2560x128xi32, #tpu.memory_space<hbm>> -> memref<1x128xi32, #tpu.memory_space<hbm>>
        %dma_start3A_44 = tpu.memref_squeeze %dma_start3A_43 : memref<1x128xi32, #tpu.memory_space<hbm>> -> memref<128xi32, #tpu.memory_space<hbm>>
        %dma_start3A_45 = arith.constant 0 : i32
        %dma_start3A_46 = tpu.memref_slice %arg3[%add3A_26, %dma_start3A_45] : memref<2560x128xi32, #tpu.memory_space<hbm>> -> memref<1x128xi32, #tpu.memory_space<hbm>>
        %dma_start3A_47 = tpu.memref_squeeze %dma_start3A_46 : memref<1x128xi32, #tpu.memory_space<hbm>> -> memref<128xi32, #tpu.memory_space<hbm>>
        tpu.enqueue_dma source(%dma_start3A_47 : memref<128xi32, #tpu.memory_space<hbm>>) target(%arg8 : memref<128xi32, #tpu.memory_space<vmem>>) target_semaphore(%run_scoped3A_41 : memref<!tpu.dma_semaphore, #tpu.memory_space<semaphore_mem>>)
        %dma_wait3A_48 = arith.constant 0 : i32
        %dma_wait3A_49 = tpu.memref_slice %arg3[%add3A_26, %dma_wait3A_48] : memref<2560x128xi32, #tpu.memory_space<hbm>> -> memref<1x128xi32, #tpu.memory_space<hbm>>
        %dma_wait3A_50 = tpu.memref_squeeze %dma_wait3A_49 : memref<1x128xi32, #tpu.memory_space<hbm>> -> memref<128xi32, #tpu.memory_space<hbm>>
        %dma_wait3A_51 = arith.constant 0 : i32
        %dma_wait3A_52 = tpu.memref_slice %arg3[%add3A_26, %dma_wait3A_51] : memref<2560x128xi32, #tpu.memory_space<hbm>> -> memref<1x128xi32, #tpu.memory_space<hbm>>
        %dma_wait3A_53 = tpu.memref_squeeze %dma_wait3A_52 : memref<1x128xi32, #tpu.memory_space<hbm>> -> memref<128xi32, #tpu.memory_space<hbm>>
        tpu.wait_dma2 semaphore(%run_scoped3A_41 : memref<!tpu.dma_semaphore, #tpu.memory_space<semaphore_mem>>) src(%dma_wait3A_53 : memref<128xi32, #tpu.memory_space<hbm>>) dst(%arg8 : memref<128xi32, #tpu.memory_space<vmem>>)
        tpu.yield
      }) : () -> ()
      %dma_start3A_27 = arith.constant 0 : i32
      %dma_start3A_28 = arith.constant 0 : i32
      %dma_start3A_29 = tpu.memref_slice %arg2[%dma_start3A_27, %dma_start3A_28] : memref<10016x128xf32, #tpu.memory_space<hbm>> -> memref<10016x128xf32, #tpu.memory_space<hbm>>
      tpu.enqueue_indirect_dma source(%dma_start3A_29 : memref<10016x128xf32, #tpu.memory_space<hbm>>) target(%arg11 : memref<128x128xf32, #tpu.memory_space<vmem>>) offsets(%arg8 : memref<128xi32, #tpu.memory_space<vmem>>) semaphore(%arg13 : memref<!tpu.dma_semaphore, #tpu.memory_space<semaphore_mem>>)
      %scan3A = arith.constant 0 : i32
      %scan3A_30 = arith.constant 0 : i32
      %scan3A_31 = arith.constant 39 : i32
      %scan3A_32 = arith.addi %scan3A_30, %scan3A_31 : i32
      %scan3A_33 = arith.constant 1 : i32
      scf.for %scan3A_41 = %scan3A_30 to %scan3A_32 step %scan3A_33  : i32 {
        %mul3A_42 = arith.constant 2 : i32
        %mul3A_43 = arith.muli %scan3A_41, %mul3A_42 : i32
        %add3A_44 = arith.constant 0 : i32
        %add3A_45 = arith.addi %mul3A_43, %add3A_44 : i32
        %dma_wait3A_46 = arith.constant 0 : i32
        %dma_wait3A_47 = arith.constant 0 : i32
        %dma_wait3A_48 = tpu.memref_slice %arg2[%dma_wait3A_46, %dma_wait3A_47] : memref<10016x128xf32, #tpu.memory_space<hbm>> -> memref<10016x128xf32, #tpu.memory_space<hbm>>
        tpu.wait_indirect_dma semaphore(%arg12 : memref<!tpu.dma_semaphore, #tpu.memory_space<semaphore_mem>>) src(%dma_wait3A_48 : memref<10016x128xf32, #tpu.memory_space<hbm>>) dst(%arg10 : memref<128x128xf32, #tpu.memory_space<vmem>>)
        %add3A_49 = arith.addi %add3A_20, %add3A_45 : i32
        %add3A_50 = arith.constant 2 : i32
        %add3A_51 = arith.addi %add3A_49, %add3A_50 : i32
        %dma_start3A_52 = arith.constant 0 : i32
        %dma_start3A_53 = tpu.memref_slice %arg3[%add3A_51, %dma_start3A_52] : memref<2560x128xi32, #tpu.memory_space<hbm>> -> memref<1x128xi32, #tpu.memory_space<hbm>>
        %dma_start3A_54 = tpu.memref_squeeze %dma_start3A_53 : memref<1x128xi32, #tpu.memory_space<hbm>> -> memref<128xi32, #tpu.memory_space<hbm>>
        %dma_start3A_55 = arith.constant 0 : i32
        %dma_start3A_56 = tpu.memref_slice %arg3[%add3A_51, %dma_start3A_55] : memref<2560x128xi32, #tpu.memory_space<hbm>> -> memref<1x128xi32, #tpu.memory_space<hbm>>
        %dma_start3A_57 = tpu.memref_squeeze %dma_start3A_56 : memref<1x128xi32, #tpu.memory_space<hbm>> -> memref<128xi32, #tpu.memory_space<hbm>>
        tpu.enqueue_dma source(%dma_start3A_57 : memref<128xi32, #tpu.memory_space<hbm>>) target(%arg7 : memref<128xi32, #tpu.memory_space<vmem>>) target_semaphore(%arg14 : memref<!tpu.dma_semaphore, #tpu.memory_space<semaphore_mem>>)
        "tpu.region"() ({
          %run_scoped3A_92 = tpu.sem_alloc : memref<!tpu.dma_semaphore, #tpu.memory_space<semaphore_mem>>
          %dma_start3A_93 = arith.constant 0 : i32
          %dma_start3A_94 = tpu.memref_slice %arg9[%add3A_45, %dma_start3A_93] : memref<80x128xi32, #tpu.memory_space<vmem>> -> memref<1x128xi32, #tpu.memory_space<vmem>>
          %dma_start3A_95 = tpu.memref_squeeze %dma_start3A_94 : memref<1x128xi32, #tpu.memory_space<vmem>> -> memref<128xi32, #tpu.memory_space<vmem>>
          %dma_start3A_96 = arith.constant 0 : i32
          %dma_start3A_97 = arith.constant 0 : i32
          %dma_start3A_98 = tpu.memref_slice %arg16[%dma_start3A_96, %dma_start3A_97] : memref<10016x128xf32, #tpu.memory_space<vmem_shared>> -> memref<10016x128xf32, #tpu.memory_space<vmem_shared>>
          tpu.enqueue_indirect_dma source(%arg10 : memref<128x128xf32, #tpu.memory_space<vmem>>) target(%dma_start3A_98 : memref<10016x128xf32, #tpu.memory_space<vmem_shared>>) offsets(%dma_start3A_95 : memref<128xi32, #tpu.memory_space<vmem>>) semaphore(%run_scoped3A_92 : memref<!tpu.dma_semaphore, #tpu.memory_space<semaphore_mem>>) {add = true}
          %dma_wait3A_99 = arith.constant 0 : i32
          %dma_wait3A_100 = tpu.memref_slice %arg9[%add3A_45, %dma_wait3A_99] : memref<80x128xi32, #tpu.memory_space<vmem>> -> memref<1x128xi32, #tpu.memory_space<vmem>>
          %dma_wait3A_101 = tpu.memref_squeeze %dma_wait3A_100 : memref<1x128xi32, #tpu.memory_space<vmem>> -> memref<128xi32, #tpu.memory_space<vmem>>
          %dma_wait3A_102 = arith.constant 0 : i32
          %dma_wait3A_103 = arith.constant 0 : i32
          %dma_wait3A_104 = tpu.memref_slice %arg16[%dma_wait3A_102, %dma_wait3A_103] : memref<10016x128xf32, #tpu.memory_space<vmem_shared>> -> memref<10016x128xf32, #tpu.memory_space<vmem_shared>>
          tpu.wait_indirect_dma semaphore(%run_scoped3A_92 : memref<!tpu.dma_semaphore, #tpu.memory_space<semaphore_mem>>) src(%arg10 : memref<128x128xf32, #tpu.memory_space<vmem>>) dst(%dma_wait3A_104 : memref<10016x128xf32, #tpu.memory_space<vmem_shared>>)
          tpu.yield
        }) : () -> ()
        %dma_wait3A_58 = arith.constant 0 : i32
        %dma_wait3A_59 = arith.constant 0 : i32
        %dma_wait3A_60 = tpu.memref_slice %arg3[%dma_wait3A_58, %dma_wait3A_59] : memref<2560x128xi32, #tpu.memory_space<hbm>> -> memref<1x128xi32, #tpu.memory_space<hbm>>
        %dma_wait3A_61 = tpu.memref_squeeze %dma_wait3A_60 : memref<1x128xi32, #tpu.memory_space<hbm>> -> memref<128xi32, #tpu.memory_space<hbm>>
        %dma_wait3A_62 = arith.constant 0 : i32
        %dma_wait3A_63 = tpu.memref_slice %arg3[%dma_wait3A_58, %dma_wait3A_62] : memref<2560x128xi32, #tpu.memory_space<hbm>> -> memref<1x128xi32, #tpu.memory_space<hbm>>
        %dma_wait3A_64 = tpu.memref_squeeze %dma_wait3A_63 : memref<1x128xi32, #tpu.memory_space<hbm>> -> memref<128xi32, #tpu.memory_space<hbm>>
        tpu.wait_dma2 semaphore(%arg14 : memref<!tpu.dma_semaphore, #tpu.memory_space<semaphore_mem>>) src(%dma_wait3A_64 : memref<128xi32, #tpu.memory_space<hbm>>) dst(%arg7 : memref<128xi32, #tpu.memory_space<vmem>>)
        %dma_start3A_65 = arith.constant 0 : i32
        %dma_start3A_66 = arith.constant 0 : i32
        %dma_start3A_67 = tpu.memref_slice %arg2[%dma_start3A_65, %dma_start3A_66] : memref<10016x128xf32, #tpu.memory_space<hbm>> -> memref<10016x128xf32, #tpu.memory_space<hbm>>
        tpu.enqueue_indirect_dma source(%dma_start3A_67 : memref<10016x128xf32, #tpu.memory_space<hbm>>) target(%arg10 : memref<128x128xf32, #tpu.memory_space<vmem>>) offsets(%arg7 : memref<128xi32, #tpu.memory_space<vmem>>) semaphore(%arg12 : memref<!tpu.dma_semaphore, #tpu.memory_space<semaphore_mem>>)
        %add3A_68 = arith.constant 1 : i32
        %add3A_69 = arith.addi %mul3A_43, %add3A_68 : i32
        %dma_wait3A_70 = arith.constant 0 : i32
        %dma_wait3A_71 = arith.constant 0 : i32
        %dma_wait3A_72 = tpu.memref_slice %arg2[%dma_wait3A_70, %dma_wait3A_71] : memref<10016x128xf32, #tpu.memory_space<hbm>> -> memref<10016x128xf32, #tpu.memory_space<hbm>>
        tpu.wait_indirect_dma semaphore(%arg13 : memref<!tpu.dma_semaphore, #tpu.memory_space<semaphore_mem>>) src(%dma_wait3A_72 : memref<10016x128xf32, #tpu.memory_space<hbm>>) dst(%arg11 : memref<128x128xf32, #tpu.memory_space<vmem>>)
        %add3A_73 = arith.addi %add3A_20, %add3A_69 : i32
        %add3A_74 = arith.constant 2 : i32
        %add3A_75 = arith.addi %add3A_73, %add3A_74 : i32
        %dma_start3A_76 = arith.constant 0 : i32
        %dma_start3A_77 = tpu.memref_slice %arg3[%add3A_75, %dma_start3A_76] : memref<2560x128xi32, #tpu.memory_space<hbm>> -> memref<1x128xi32, #tpu.memory_space<hbm>>
        %dma_start3A_78 = tpu.memref_squeeze %dma_start3A_77 : memref<1x128xi32, #tpu.memory_space<hbm>> -> memref<128xi32, #tpu.memory_space<hbm>>
        %dma_start3A_79 = arith.constant 0 : i32
        %dma_start3A_80 = tpu.memref_slice %arg3[%add3A_75, %dma_start3A_79] : memref<2560x128xi32, #tpu.memory_space<hbm>> -> memref<1x128xi32, #tpu.memory_space<hbm>>
        %dma_start3A_81 = tpu.memref_squeeze %dma_start3A_80 : memref<1x128xi32, #tpu.memory_space<hbm>> -> memref<128xi32, #tpu.memory_space<hbm>>
        tpu.enqueue_dma source(%dma_start3A_81 : memref<128xi32, #tpu.memory_space<hbm>>) target(%arg8 : memref<128xi32, #tpu.memory_space<vmem>>) target_semaphore(%arg15 : memref<!tpu.dma_semaphore, #tpu.memory_space<semaphore_mem>>)
        "tpu.region"() ({
          %run_scoped3A_92 = tpu.sem_alloc : memref<!tpu.dma_semaphore, #tpu.memory_space<semaphore_mem>>
          %dma_start3A_93 = arith.constant 0 : i32
          %dma_start3A_94 = tpu.memref_slice %arg9[%add3A_69, %dma_start3A_93] : memref<80x128xi32, #tpu.memory_space<vmem>> -> memref<1x128xi32, #tpu.memory_space<vmem>>
          %dma_start3A_95 = tpu.memref_squeeze %dma_start3A_94 : memref<1x128xi32, #tpu.memory_space<vmem>> -> memref<128xi32, #tpu.memory_space<vmem>>
          %dma_start3A_96 = arith.constant 0 : i32
          %dma_start3A_97 = arith.constant 0 : i32
          %dma_start3A_98 = tpu.memref_slice %arg16[%dma_start3A_96, %dma_start3A_97] : memref<10016x128xf32, #tpu.memory_space<vmem_shared>> -> memref<10016x128xf32, #tpu.memory_space<vmem_shared>>
          tpu.enqueue_indirect_dma source(%arg11 : memref<128x128xf32, #tpu.memory_space<vmem>>) target(%dma_start3A_98 : memref<10016x128xf32, #tpu.memory_space<vmem_shared>>) offsets(%dma_start3A_95 : memref<128xi32, #tpu.memory_space<vmem>>) semaphore(%run_scoped3A_92 : memref<!tpu.dma_semaphore, #tpu.memory_space<semaphore_mem>>) {add = true}
          %dma_wait3A_99 = arith.constant 0 : i32
          %dma_wait3A_100 = tpu.memref_slice %arg9[%add3A_69, %dma_wait3A_99] : memref<80x128xi32, #tpu.memory_space<vmem>> -> memref<1x128xi32, #tpu.memory_space<vmem>>
          %dma_wait3A_101 = tpu.memref_squeeze %dma_wait3A_100 : memref<1x128xi32, #tpu.memory_space<vmem>> -> memref<128xi32, #tpu.memory_space<vmem>>
          %dma_wait3A_102 = arith.constant 0 : i32
          %dma_wait3A_103 = arith.constant 0 : i32
          %dma_wait3A_104 = tpu.memref_slice %arg16[%dma_wait3A_102, %dma_wait3A_103] : memref<10016x128xf32, #tpu.memory_space<vmem_shared>> -> memref<10016x128xf32, #tpu.memory_space<vmem_shared>>
          tpu.wait_indirect_dma semaphore(%run_scoped3A_92 : memref<!tpu.dma_semaphore, #tpu.memory_space<semaphore_mem>>) src(%arg11 : memref<128x128xf32, #tpu.memory_space<vmem>>) dst(%dma_wait3A_104 : memref<10016x128xf32, #tpu.memory_space<vmem_shared>>)
          tpu.yield
        }) : () -> ()
        %dma_wait3A_82 = arith.constant 0 : i32
        %dma_wait3A_83 = arith.constant 0 : i32
        %dma_wait3A_84 = tpu.memref_slice %arg3[%dma_wait3A_82, %dma_wait3A_83] : memref<2560x128xi32, #tpu.memory_space<hbm>> -> memref<1x128xi32, #tpu.memory_space<hbm>>
        %dma_wait3A_85 = tpu.memref_squeeze %dma_wait3A_84 : memref<1x128xi32, #tpu.memory_space<hbm>> -> memref<128xi32, #tpu.memory_space<hbm>>
        %dma_wait3A_86 = arith.constant 0 : i32
        %dma_wait3A_87 = tpu.memref_slice %arg3[%dma_wait3A_82, %dma_wait3A_86] : memref<2560x128xi32, #tpu.memory_space<hbm>> -> memref<1x128xi32, #tpu.memory_space<hbm>>
        %dma_wait3A_88 = tpu.memref_squeeze %dma_wait3A_87 : memref<1x128xi32, #tpu.memory_space<hbm>> -> memref<128xi32, #tpu.memory_space<hbm>>
        tpu.wait_dma2 semaphore(%arg15 : memref<!tpu.dma_semaphore, #tpu.memory_space<semaphore_mem>>) src(%dma_wait3A_88 : memref<128xi32, #tpu.memory_space<hbm>>) dst(%arg8 : memref<128xi32, #tpu.memory_space<vmem>>)
        %dma_start3A_89 = arith.constant 0 : i32
        %dma_start3A_90 = arith.constant 0 : i32
        %dma_start3A_91 = tpu.memref_slice %arg2[%dma_start3A_89, %dma_start3A_90] : memref<10016x128xf32, #tpu.memory_space<hbm>> -> memref<10016x128xf32, #tpu.memory_space<hbm>>
        tpu.enqueue_indirect_dma source(%dma_start3A_91 : memref<10016x128xf32, #tpu.memory_space<hbm>>) target(%arg11 : memref<128x128xf32, #tpu.memory_space<vmem>>) offsets(%arg8 : memref<128xi32, #tpu.memory_space<vmem>>) semaphore(%arg13 : memref<!tpu.dma_semaphore, #tpu.memory_space<semaphore_mem>>)
      }
      %scan3A_34 = arith.constant 39 : i32
      %dma_wait3A = arith.constant 0 : i32
      %dma_wait3A_35 = arith.constant 0 : i32
      %dma_wait3A_36 = tpu.memref_slice %arg2[%dma_wait3A, %dma_wait3A_35] : memref<10016x128xf32, #tpu.memory_space<hbm>> -> memref<10016x128xf32, #tpu.memory_space<hbm>>
      tpu.wait_indirect_dma semaphore(%arg12 : memref<!tpu.dma_semaphore, #tpu.memory_space<semaphore_mem>>) src(%dma_wait3A_36 : memref<10016x128xf32, #tpu.memory_space<hbm>>) dst(%arg10 : memref<128x128xf32, #tpu.memory_space<vmem>>)
      %run_scoped3A = arith.constant 78 : i32
      "tpu.region"() ({
        %run_scoped3A_41 = tpu.sem_alloc : memref<!tpu.dma_semaphore, #tpu.memory_space<semaphore_mem>>
        %dma_start3A_42 = arith.constant 0 : i32
        %dma_start3A_43 = tpu.memref_slice %arg9[%run_scoped3A, %dma_start3A_42] : memref<80x128xi32, #tpu.memory_space<vmem>> -> memref<1x128xi32, #tpu.memory_space<vmem>>
        %dma_start3A_44 = tpu.memref_squeeze %dma_start3A_43 : memref<1x128xi32, #tpu.memory_space<vmem>> -> memref<128xi32, #tpu.memory_space<vmem>>
        %dma_start3A_45 = arith.constant 0 : i32
        %dma_start3A_46 = arith.constant 0 : i32
        %dma_start3A_47 = tpu.memref_slice %arg16[%dma_start3A_45, %dma_start3A_46] : memref<10016x128xf32, #tpu.memory_space<vmem_shared>> -> memref<10016x128xf32, #tpu.memory_space<vmem_shared>>
        tpu.enqueue_indirect_dma source(%arg10 : memref<128x128xf32, #tpu.memory_space<vmem>>) target(%dma_start3A_47 : memref<10016x128xf32, #tpu.memory_space<vmem_shared>>) offsets(%dma_start3A_44 : memref<128xi32, #tpu.memory_space<vmem>>) semaphore(%run_scoped3A_41 : memref<!tpu.dma_semaphore, #tpu.memory_space<semaphore_mem>>) {add = true}
        %dma_wait3A_48 = arith.constant 0 : i32
        %dma_wait3A_49 = tpu.memref_slice %arg9[%run_scoped3A, %dma_wait3A_48] : memref<80x128xi32, #tpu.memory_space<vmem>> -> memref<1x128xi32, #tpu.memory_space<vmem>>
        %dma_wait3A_50 = tpu.memref_squeeze %dma_wait3A_49 : memref<1x128xi32, #tpu.memory_space<vmem>> -> memref<128xi32, #tpu.memory_space<vmem>>
        %dma_wait3A_51 = arith.constant 0 : i32
        %dma_wait3A_52 = arith.constant 0 : i32
        %dma_wait3A_53 = tpu.memref_slice %arg16[%dma_wait3A_51, %dma_wait3A_52] : memref<10016x128xf32, #tpu.memory_space<vmem_shared>> -> memref<10016x128xf32, #tpu.memory_space<vmem_shared>>
        tpu.wait_indirect_dma semaphore(%run_scoped3A_41 : memref<!tpu.dma_semaphore, #tpu.memory_space<semaphore_mem>>) src(%arg10 : memref<128x128xf32, #tpu.memory_space<vmem>>) dst(%dma_wait3A_53 : memref<10016x128xf32, #tpu.memory_space<vmem_shared>>)
        tpu.yield
      }) : () -> ()
      %dma_wait3A_37 = arith.constant 0 : i32
      %dma_wait3A_38 = arith.constant 0 : i32
      %dma_wait3A_39 = tpu.memref_slice %arg2[%dma_wait3A_37, %dma_wait3A_38] : memref<10016x128xf32, #tpu.memory_space<hbm>> -> memref<10016x128xf32, #tpu.memory_space<hbm>>
      tpu.wait_indirect_dma semaphore(%arg13 : memref<!tpu.dma_semaphore, #tpu.memory_space<semaphore_mem>>) src(%dma_wait3A_39 : memref<10016x128xf32, #tpu.memory_space<hbm>>) dst(%arg11 : memref<128x128xf32, #tpu.memory_space<vmem>>)
      %run_scoped3A_40 = arith.constant 79 : i32
      "tpu.region"() ({
        %run_scoped3A_41 = tpu.sem_alloc : memref<!tpu.dma_semaphore, #tpu.memory_space<semaphore_mem>>
        %dma_start3A_42 = arith.constant 0 : i32
        %dma_start3A_43 = tpu.memref_slice %arg9[%run_scoped3A_40, %dma_start3A_42] : memref<80x128xi32, #tpu.memory_space<vmem>> -> memref<1x128xi32, #tpu.memory_space<vmem>>
        %dma_start3A_44 = tpu.memref_squeeze %dma_start3A_43 : memref<1x128xi32, #tpu.memory_space<vmem>> -> memref<128xi32, #tpu.memory_space<vmem>>
        %dma_start3A_45 = arith.constant 0 : i32
        %dma_start3A_46 = arith.constant 0 : i32
        %dma_start3A_47 = tpu.memref_slice %arg16[%dma_start3A_45, %dma_start3A_46] : memref<10016x128xf32, #tpu.memory_space<vmem_shared>> -> memref<10016x128xf32, #tpu.memory_space<vmem_shared>>
        tpu.enqueue_indirect_dma source(%arg11 : memref<128x128xf32, #tpu.memory_space<vmem>>) target(%dma_start3A_47 : memref<10016x128xf32, #tpu.memory_space<vmem_shared>>) offsets(%dma_start3A_44 : memref<128xi32, #tpu.memory_space<vmem>>) semaphore(%run_scoped3A_41 : memref<!tpu.dma_semaphore, #tpu.memory_space<semaphore_mem>>) {add = true}
        %dma_wait3A_48 = arith.constant 0 : i32
        %dma_wait3A_49 = tpu.memref_slice %arg9[%run_scoped3A_40, %dma_wait3A_48] : memref<80x128xi32, #tpu.memory_space<vmem>> -> memref<1x128xi32, #tpu.memory_space<vmem>>
        %dma_wait3A_50 = tpu.memref_squeeze %dma_wait3A_49 : memref<1x128xi32, #tpu.memory_space<vmem>> -> memref<128xi32, #tpu.memory_space<vmem>>
        %dma_wait3A_51 = arith.constant 0 : i32
        %dma_wait3A_52 = arith.constant 0 : i32
        %dma_wait3A_53 = tpu.memref_slice %arg16[%dma_wait3A_51, %dma_wait3A_52] : memref<10016x128xf32, #tpu.memory_space<vmem_shared>> -> memref<10016x128xf32, #tpu.memory_space<vmem_shared>>
        tpu.wait_indirect_dma semaphore(%run_scoped3A_41 : memref<!tpu.dma_semaphore, #tpu.memory_space<semaphore_mem>>) src(%arg11 : memref<128x128xf32, #tpu.memory_space<vmem>>) dst(%dma_wait3A_53 : memref<10016x128xf32, #tpu.memory_space<vmem_shared>>)
        tpu.yield
      }) : () -> ()
    } else {
    }
    %barrier3A_12 = arith.constant 0 : index
    tpu.barrier barrier_id(%barrier3A_12)
    "tpu.trace_stop"() : () -> ()
    "tpu.trace_start"() <{level = 10 : i32, message = "acc_out"}> : () -> ()
    %mul3A_13 = arith.constant 625 : i32
    %mul3A_14 = arith.muli %arg1, %mul3A_13 : i32
    %mul3A_15 = arith.constant 625 : i32
    %mul3A_16 = arith.muli %arg1, %mul3A_15 : i32
    "tpu.region"() ({
      %run_scoped3A = tpu.sem_alloc : memref<!tpu.dma_semaphore, #tpu.memory_space<semaphore_mem>>
      %dma_start3A = arith.constant 0 : i32
      %dma_start3A_17 = tpu.memref_slice %arg6[%arg0, %mul3A_16, %dma_start3A] : memref<2x10000x128xf32, #tpu.memory_space<hbm>> -> memref<1x625x128xf32, #tpu.memory_space<hbm>>
      %dma_start3A_18 = tpu.memref_squeeze %dma_start3A_17 : memref<1x625x128xf32, #tpu.memory_space<hbm>> -> memref<625x128xf32, #tpu.memory_space<hbm>>
      %dma_start3A_19 = arith.constant 0 : i32
      %dma_start3A_20 = tpu.memref_slice %arg16[%mul3A_14, %dma_start3A_19] : memref<10016x128xf32, #tpu.memory_space<vmem_shared>> -> memref<625x128xf32, #tpu.memory_space<vmem_shared>>
      tpu.enqueue_dma source(%dma_start3A_20 : memref<625x128xf32, #tpu.memory_space<vmem_shared>>) target(%dma_start3A_18 : memref<625x128xf32, #tpu.memory_space<hbm>>) target_semaphore(%run_scoped3A : memref<!tpu.dma_semaphore, #tpu.memory_space<semaphore_mem>>)
      %dma_wait3A = arith.constant 0 : i32
      %dma_wait3A_21 = tpu.memref_slice %arg6[%arg0, %mul3A_16, %dma_wait3A] : memref<2x10000x128xf32, #tpu.memory_space<hbm>> -> memref<1x625x128xf32, #tpu.memory_space<hbm>>
      %dma_wait3A_22 = tpu.memref_squeeze %dma_wait3A_21 : memref<1x625x128xf32, #tpu.memory_space<hbm>> -> memref<625x128xf32, #tpu.memory_space<hbm>>
      %dma_wait3A_23 = arith.constant 0 : i32
      %dma_wait3A_24 = tpu.memref_slice %arg16[%mul3A_14, %dma_wait3A_23] : memref<10016x128xf32, #tpu.memory_space<vmem_shared>> -> memref<625x128xf32, #tpu.memory_space<vmem_shared>>
      tpu.wait_dma2 semaphore(%run_scoped3A : memref<!tpu.dma_semaphore, #tpu.memory_space<semaphore_mem>>) src(%dma_wait3A_24 : memref<625x128xf32, #tpu.memory_space<vmem_shared>>) dst(%dma_wait3A_22 : memref<625x128xf32, #tpu.memory_space<hbm>>)
      tpu.yield
    }) : () -> ()
    "tpu.trace_stop"() : () -> ()
    return
  }
}

module attributes {stable_mosaic.version = 14 : i64} {
  func.func @_prep_body(%arg0: memref<10000x128xf32, #tpu.memory_space<vmem>>, %arg1: memref<32x10016xf32, #tpu.memory_space<vmem>>, %arg2: memref<128x128xf32, #tpu.memory_space<vmem>>, %arg3: memref<128x128xf32, #tpu.memory_space<vmem>>, %arg4: memref<128x128xf32, #tpu.memory_space<vmem>>, %arg5: memref<1x128xf32, #tpu.memory_space<vmem>>, %arg6: memref<1x128xf32, #tpu.memory_space<vmem>>, %arg7: memref<1x128xf32, #tpu.memory_space<vmem>>, %arg8: memref<10016x128xf32, #tpu.memory_space<vmem>>, %arg9: memref<128x128xf32, #tpu.memory_space<vmem>>, %arg10: memref<1x128xf32, #tpu.memory_space<vmem>>) attributes {dimension_semantics = [], scalar_prefetch = 0 : i64, scratch_operands = 0 : i64, tpu.core_type = #tpu.core_type<tc>} {
    %get3A = arith.constant 0 : index
    %get3A_0 = arith.constant 0 : index
    %get3A_1 = vector.load %arg1[%get3A, %get3A_0] : memref<32x10016xf32, #tpu.memory_space<vmem>>, vector<32x10016xf32>
    %reduce_sum3A = arith.constant dense<0.000000e+00> : vector<10016xf32>
    %reduce_sum3A_2 = vector.multi_reduction <add>, %get3A_1, %reduce_sum3A [0] : vector<32x10016xf32> to vector<10016xf32>
    %slice3A = vector.extract_strided_slice %reduce_sum3A_2 {offsets = [0], sizes = [10000], strides = [1]} : vector<10016xf32> to vector<10000xf32>
    %max3A = arith.constant 1.000000e+00 : f32
    %max3A_3 = vector.broadcast %max3A : f32 to vector<10000xf32>
    %max3A_4 = arith.maximumf %slice3A, %max3A_3 : vector<10000xf32>
    %get3A_5 = arith.constant 0 : index
    %get3A_6 = arith.constant 0 : index
    %get3A_7 = vector.load %arg0[%get3A_5, %get3A_6] : memref<10000x128xf32, #tpu.memory_space<vmem>>, vector<10000x128xf32>
    %rsqrt3A = math.rsqrt %max3A_4 : vector<10000xf32>
    %broadcast_in_dim3A = vector.shape_cast %rsqrt3A : vector<10000xf32> to vector<10000x1xf32>
    %mul3A = vector.broadcast %broadcast_in_dim3A : vector<10000x1xf32> to vector<10000x128xf32>
    %mul3A_8 = arith.mulf %get3A_7, %mul3A : vector<10000x128xf32>
    %swap3A = arith.constant 0 : index
    %swap3A_9 = arith.constant 0 : index
    %swap3A_10 = vector.load %arg8[%swap3A, %swap3A_9] : memref<10016x128xf32, #tpu.memory_space<vmem>>, vector<10000x128xf32>
    tpu.vector_store %arg8[%swap3A, %swap3A_9], %mul3A_8 {strides = array<i32>} : memref<10016x128xf32, #tpu.memory_space<vmem>>, vector<10000x128xf32>,
    %broadcast_in_dim3A_11 = arith.constant 0.000000e+00 : f32
    %broadcast_in_dim3A_12 = vector.broadcast %broadcast_in_dim3A_11 : f32 to vector<16x128xf32>
    %swap3A_13 = arith.constant 10000 : index
    %swap3A_14 = arith.constant 0 : index
    %swap3A_15 = vector.load %arg8[%swap3A_13, %swap3A_14] : memref<10016x128xf32, #tpu.memory_space<vmem>>, vector<16x128xf32>
    tpu.vector_store %arg8[%swap3A_13, %swap3A_14], %broadcast_in_dim3A_12 {strides = array<i32>} : memref<10016x128xf32, #tpu.memory_space<vmem>>, vector<16x128xf32>,
    %get3A_16 = arith.constant 0 : index
    %get3A_17 = arith.constant 0 : index
    %get3A_18 = vector.load %arg2[%get3A_16, %get3A_17] : memref<128x128xf32, #tpu.memory_space<vmem>>, vector<128x128xf32>
    %get3A_19 = arith.constant 0 : index
    %get3A_20 = arith.constant 0 : index
    %get3A_21 = vector.load %arg4[%get3A_19, %get3A_20] : memref<128x128xf32, #tpu.memory_space<vmem>>, vector<128x128xf32>
    %get3A_22 = arith.constant 0 : index
    %get3A_23 = arith.constant 0 : index
    %get3A_24 = vector.load %arg3[%get3A_22, %get3A_23] : memref<128x128xf32, #tpu.memory_space<vmem>>, vector<128x128xf32>
    %exp3A = math.exp %get3A_24 : vector<128x128xf32>
    %log1p3A = math.log1p %exp3A : vector<128x128xf32>
    %mul3A_25 = arith.mulf %get3A_21, %log1p3A : vector<128x128xf32>
    %add3A = arith.addf %get3A_18, %mul3A_25 : vector<128x128xf32>
    %swap3A_26 = arith.constant 0 : index
    %swap3A_27 = arith.constant 0 : index
    %swap3A_28 = vector.load %arg9[%swap3A_26, %swap3A_27] : memref<128x128xf32, #tpu.memory_space<vmem>>, vector<128x128xf32>
    tpu.vector_store %arg9[%swap3A_26, %swap3A_27], %add3A {strides = array<i32>} : memref<128x128xf32, #tpu.memory_space<vmem>>, vector<128x128xf32>,
    %get3A_29 = arith.constant 0 : index
    %get3A_30 = arith.constant 0 : index
    %get3A_31 = vector.load %arg5[%get3A_29, %get3A_30] : memref<1x128xf32, #tpu.memory_space<vmem>>, vector<1x128xf32>
    %get3A_32 = arith.constant 0 : index
    %get3A_33 = arith.constant 0 : index
    %get3A_34 = vector.load %arg7[%get3A_32, %get3A_33] : memref<1x128xf32, #tpu.memory_space<vmem>>, vector<1x128xf32>
    %get3A_35 = arith.constant 0 : index
    %get3A_36 = arith.constant 0 : index
    %get3A_37 = vector.load %arg6[%get3A_35, %get3A_36] : memref<1x128xf32, #tpu.memory_space<vmem>>, vector<1x128xf32>
    %exp3A_38 = math.exp %get3A_37 : vector<1x128xf32>
    %log1p3A_39 = math.log1p %exp3A_38 : vector<1x128xf32>
    %mul3A_40 = arith.mulf %get3A_34, %log1p3A_39 : vector<1x128xf32>
    %add3A_41 = arith.addf %get3A_31, %mul3A_40 : vector<1x128xf32>
    %swap3A_42 = arith.constant 0 : index
    %swap3A_43 = arith.constant 0 : index
    %swap3A_44 = vector.load %arg10[%swap3A_42, %swap3A_43] : memref<1x128xf32, #tpu.memory_space<vmem>>, vector<1x128xf32>
    tpu.vector_store %arg10[%swap3A_42, %swap3A_43], %add3A_41 {strides = array<i32>} : memref<1x128xf32, #tpu.memory_space<vmem>>, vector<1x128xf32>,
    return
  }
}

module attributes {stable_mosaic.version = 14 : i64} {
  func.func @_finish_body(%arg0: memref<2x10000x128xf32, #tpu.memory_space<vmem>>, %arg1: memref<32x10016xf32, #tpu.memory_space<vmem>>, %arg2: memref<128x128xf32, #tpu.memory_space<vmem>>, %arg3: memref<1x128xf32, #tpu.memory_space<vmem>>, %arg4: memref<10000x128xf32, #tpu.memory_space<vmem>>) attributes {dimension_semantics = [], scalar_prefetch = 0 : i64, scratch_operands = 0 : i64, tpu.core_type = #tpu.core_type<tc>} {
    %get3A = arith.constant 0 : index
    %get3A_0 = arith.constant 0 : index
    %get3A_1 = arith.constant 0 : index
    %get3A_2 = vector.load %arg0[%get3A, %get3A_0, %get3A_1] : memref<2x10000x128xf32, #tpu.memory_space<vmem>>, vector<1x10000x128xf32>
    %get3A_3 = vector.shape_cast %get3A_2 : vector<1x10000x128xf32> to vector<10000x128xf32>
    %get3A_4 = arith.constant 1 : index
    %get3A_5 = arith.constant 0 : index
    %get3A_6 = arith.constant 0 : index
    %get3A_7 = vector.load %arg0[%get3A_4, %get3A_5, %get3A_6] : memref<2x10000x128xf32, #tpu.memory_space<vmem>>, vector<1x10000x128xf32>
    %get3A_8 = vector.shape_cast %get3A_7 : vector<1x10000x128xf32> to vector<10000x128xf32>
    %add3A = arith.addf %get3A_3, %get3A_8 : vector<10000x128xf32>
    %get3A_9 = arith.constant 0 : index
    %get3A_10 = arith.constant 0 : index
    %get3A_11 = vector.load %arg1[%get3A_9, %get3A_10] : memref<32x10016xf32, #tpu.memory_space<vmem>>, vector<32x10016xf32>
    %reduce_sum3A = arith.constant dense<0.000000e+00> : vector<10016xf32>
    %reduce_sum3A_12 = vector.multi_reduction <add>, %get3A_11, %reduce_sum3A [0] : vector<32x10016xf32> to vector<10016xf32>
    %slice3A = vector.extract_strided_slice %reduce_sum3A_12 {offsets = [0], sizes = [10000], strides = [1]} : vector<10016xf32> to vector<10000xf32>
    %max3A = arith.constant 1.000000e+00 : f32
    %max3A_13 = vector.broadcast %max3A : f32 to vector<10000xf32>
    %max3A_14 = arith.maximumf %slice3A, %max3A_13 : vector<10000xf32>
    %rsqrt3A = math.rsqrt %max3A_14 : vector<10000xf32>
    %broadcast_in_dim3A = vector.shape_cast %rsqrt3A : vector<10000xf32> to vector<10000x1xf32>
    %mul3A = vector.broadcast %broadcast_in_dim3A : vector<10000x1xf32> to vector<10000x128xf32>
    %mul3A_15 = arith.mulf %add3A, %mul3A : vector<10000x128xf32>
    %get3A_16 = arith.constant 0 : index
    %get3A_17 = arith.constant 0 : index
    %get3A_18 = vector.load %arg2[%get3A_16, %get3A_17] : memref<128x128xf32, #tpu.memory_space<vmem>>, vector<128x128xf32>
    %dot_general3A = arith.constant dense<0.000000e+00> : vector<10000x128xf32>
    %dot_general3A_19 = tpu.matmul %mul3A_15, %get3A_18, %dot_general3A {dimension_numbers = #tpu.dot_dimension_numbers<[1], [0], [0], [1], [0, 0, 1, 1], [], []>, transpose_lhs_hint = false} : vector<10000x128xf32>, vector<128x128xf32>, vector<10000x128xf32> -> vector<10000x128xf32>
    %get3A_20 = arith.constant 0 : index
    %get3A_21 = arith.constant 0 : index
    %get3A_22 = vector.load %arg3[%get3A_20, %get3A_21] : memref<1x128xf32, #tpu.memory_space<vmem>>, vector<1x128xf32>
    %add3A_23 = vector.broadcast %get3A_22 : vector<1x128xf32> to vector<10000x128xf32>
    %add3A_24 = arith.addf %dot_general3A_19, %add3A_23 : vector<10000x128xf32>
    %swap3A = arith.constant 0 : index
    %swap3A_25 = arith.constant 0 : index
    %swap3A_26 = vector.load %arg4[%swap3A, %swap3A_25] : memref<10000x128xf32, #tpu.memory_space<vmem>>, vector<10000x128xf32>
    tpu.vector_store %arg4[%swap3A, %swap3A_25], %add3A_24 {strides = array<i32>} : memref<10000x128xf32, #tpu.memory_space<vmem>>, vector<10000x128xf32>,
    return
  }
}

</mosaic_0001>

<sc_bundles>
// kernel: kernel.6.cloned.1.call-start
scs
__scs_entry_jumppad:
0x0: {  	(pc) =	sbr.rel $0x88, $3  }
0x1: {  	(tag) =	ssettag $0x0;
	lr =	simm.s32 $0x1  }
0x2: {  	[smem:$0x3F99] =	sst lr;
	_ =	strace $0xD0000000  }
0x3: {  	_ = 	snop  }
0x4: {  	_ = 	snop  }
0x5: {  	_ = 	snop  }
0x6: {  	_ = 	snop  }
0x7: {  	_ = 	snop  }
__scs_overlays_trampoline_lowered:
0x8: {  	[smem:$0x3FA8] =	sst s0  }
0x9: {  	[smem:$0x3FA9] =	sst s1  }
0xa: {  	[smem:$0x3FAA] =	sst s2  }
0xb: {  	[smem:$0x3FAB] =	sst s3  }
0xc: {  	[smem:$0x3FAC] =	sst s4  }
0xd: {  	[smem:$0x3FAD] =	sst s5  }
0xe: {  	[smem:$0x3FAE] =	sst s6  }
0xf: {  	[smem:$0x3FAF] =	sst s7  }
0x10: {  	[smem:$0x3FB0] =	sst s8  }
0x11: {  	[smem:$0x3FB1] =	sst s9;
	s0 =	simm.s32 @!p0 $0x0  }
0x12: {  	s1 =	sld [smem:$0x3F97];
	s0 =	simm.s32 @p0 $0x1  }
0x13: {  	[smem:$0x3FB2] =	sst s0;
	s0 =	simm.s32 @!p1 $0x0  }
0x14: {  	s2 =	sld [smem:$0x3F96];
	s0 =	simm.s32 @p1 $0x1  }
0x15: {  	[smem:$0x3FB3] =	sst s0;
	s0 =	simm.s32 @!p2 $0x0  }
0x16: {  	s3 =	sld [smem:$0x3FDB];
	s0 =	simm.s32 @p2 $0x1  }
0x17: {  	s4 =	simm.s32 $0x1BF5;
	[smem:$0x3FB5] =	sst s0  }
0x18: {  	s0 =	sld [smem:$0x3F98];
	_ =	swait.ge [sflag:s4], $0x0  }
0x19: {  	s7 =	sld [smem:$0x3F99]  }
0x1a: {  	s8 =	sadd.s32 $0xFFFFE003, lr  }
0x1b: {  	s9 =	sadd.s32 $0xFFFFFEF7, lr;
	s5 =	simm.s32 $0xFFFFFFFF;
	p2 =	slt.u32 s8, $0xFFFFF086  }
0x1c: {  	p1 =	slt.u32 s9, $0xF7A;
	s5 =	simm.s32 @!p2 $0x0  }
0x1d: {  	s5 =	simm.s32 @p1 $0x1;
	p0 =	seq.s32 s7, s2  }
0x1e: {  	s7 =	smul.u32 @!p0 $0xF7A, s2;
	p2 =	seq.s32 @!p0 s5, $0x0  }
0x1f: {  	s9 =	smul.u32 $0xF7A, s1;
	s8 =	simm.s32 @!p0 $0x1BF5;
	p2 =	por !p2, p0  }
0x20: {  	[sflag:s8] =	ssyncset.s32 @!p0 $0xFFFFF086;
	s6 =	sadd.s32 @!p0 s3, s7;
	s7 =	simm.s32 @!p0 $0x108  }
0x21: {  	s3 =	sadd.s32 s3, s9;
	s6 =	sadd.s32 @!p0 $0x88, s6;
	s7 =	simm.s32 @p2 $0x1082  }
0x22: {  	[simem:s7], [sflag:s8] =	dma.local @!p0 [hbm:s6], $0xF7A  }
0x23: {  	s9 =	sor.u32 $0xD0000000, s2;
	s6 =	simm.s32 $0x108;
	_ =	swait.ge @!p0 [sflag:s8], $0x0  }
0x24: {  	s3 =	sadd.s32 $0x88, s3;
	s6 =	simm.s32 @!p1 $0x1082;
	[sflag:s4] =	ssyncset.s32 $0xFFFFF086  }
0x25: {  	[simem:s6], [sflag:s4] =	dma.local [hbm:s3], $0xF7A  }
0x26: {  	[smem:$0x3F99] =	sst s1;
	(tag) =	ssettag s2;
	_ =	strace s9  }
0x27: {  	s1 =	sld [smem:$0x3FA9]  }
0x28: {  	s2 =	sld [smem:$0x3FAA]  }
0x29: {  	s4 =	sld [smem:$0x3FAC]  }
0x2a: {  	p0 =	seq.s32 s5, $0x0;
	s5 =	sld [smem:$0x3FAD]  }
0x2b: {  	s6 =	sld [smem:$0x3FAE]  }
0x2c: {  	s7 =	sld [smem:$0x3FAF]  }
0x2d: {  	s3 =	simm.s32 $0x108;
	s8 =	sld [smem:$0x3FB0]  }
0x2e: {  	s3 =	simm.s32 @!p0 $0x1082;
	s9 =	sld [smem:$0x3FB1]  }
0x2f: {  	lr =	sadd.s32 s0, s3;
	s0 =	sld [smem:$0x3FA8]  }
0x30: {  	s3 =	sld [smem:$0x3FAB]  }
0x31: {  	[smem:$0x3FB4] =	sst s10  }
0x32: {  	s10 =	sld [smem:$0x3FB2];
	_ =	sdelay $0x3  }
0x33: {  	p0 =	seq.s32 s10, $0x1;
	s10 =	sld [smem:$0x3FB4];
	_ =	sdelay $0x3  }
0x34: {  	[smem:$0x3FB4] =	sst s10  }
0x35: {  	s10 =	sld [smem:$0x3FB3];
	_ =	sdelay $0x3  }
0x36: {  	p1 =	seq.s32 s10, $0x1;
	s10 =	sld [smem:$0x3FB4];
	_ =	sdelay $0x3  }
0x37: {  	[smem:$0x3FB4] =	sst s10  }
0x38: {  	s10 =	sld [smem:$0x3FB5]  }
0x39: {  	_ = 	snop;
	(pc) =	sbr.ind lr, $3  }
0x3a: {  	_ = 	snop  }
0x3b: {  	_ = 	snop  }
0x3c: {  	p2 =	seq.s32 s10, $0x1;
	s10 =	sld [smem:$0x3FB4]  }
0x3d: {  	_ =	shalt  }
0x3e: {  	_ =	shalt  }
0x3f: {  	_ =	shalt  }
0x40: {  	_ =	shalt  }
0x41: {  	_ =	shalt  }
0x42: {  	_ =	shalt  }
0x43: {  	_ =	shalt  }
0x44: {  	_ =	shalt  }
0x45: {  	_ =	shalt  }
0x46: {  	_ =	shalt  }
0x47: {  	_ =	shalt  }
0x48: {  	_ =	shalt  }
0x49: {  	_ =	shalt  }
0x4a: {  	_ =	shalt  }
0x4b: {  	_ =	shalt  }
0x4c: {  	_ =	shalt  }
0x4d: {  	_ =	shalt  }
0x4e: {  	_ =	shalt  }
0x4f: {  	_ =	shalt  }
0x50: {  	_ =	shalt  }
0x51: {  	_ =	shalt  }
0x52: {  	_ =	shalt  }
0x53: {  	_ =	shalt  }
0x54: {  	_ =	shalt  }
0x55: {  	_ =	shalt  }
0x56: {  	_ =	shalt  }
0x57: {  	_ =	shalt  }
0x58: {  	_ =	shalt  }
0x59: {  	_ =	shalt  }
0x5a: {  	_ =	shalt  }
0x5b: {  	_ =	shalt  }
0x5c: {  	_ =	shalt  }
0x5d: {  	_ =	shalt  }
0x5e: {  	_ =	shalt  }
0x5f: {  	_ =	shalt  }
0x60: {  	_ =	shalt  }
0x61: {  	_ =	shalt  }
0x62: {  	_ =	shalt  }
0x63: {  	_ =	shalt  }
0x64: {  	_ =	shalt  }
0x65: {  	_ =	shalt  }
0x66: {  	_ =	shalt  }
0x67: {  	_ =	shalt  }
0x68: {  	_ =	shalt  }
0x69: {  	_ =	shalt  }
0x6a: {  	_ =	shalt  }
0x6b: {  	_ =	shalt  }
0x6c: {  	_ =	shalt  }
0x6d: {  	_ =	shalt  }
0x6e: {  	_ =	shalt  }
0x6f: {  	_ =	shalt  }
0x70: {  	_ =	shalt  }
0x71: {  	_ =	shalt  }
0x72: {  	_ =	shalt  }
0x73: {  	_ =	shalt  }
0x74: {  	_ =	shalt  }
0x75: {  	_ =	shalt  }
0x76: {  	_ =	shalt  }
0x77: {  	_ =	shalt  }
0x78: {  	_ =	shalt  }
0x79: {  	_ =	shalt  }
0x7a: {  	_ =	shalt  }
0x7b: {  	_ =	shalt  }
0x7c: {  	_ =	shalt  }
0x7d: {  	_ =	shalt  }
0x7e: {  	_ =	shalt  }
0x7f: {  	_ =	shalt  }
0x80: {  	_ =	shalt  }
0x81: {  	_ =	shalt  }
0x82: {  	_ =	shalt  }
0x83: {  	_ =	shalt  }
0x84: {  	_ =	shalt  }
0x85: {  	_ =	shalt  }
0x86: {  	_ =	shalt  }
0x87: {  	_ =	shalt  }
.Lfunc_end0:
.L_simem_size_0:
called_computation_lowered:
.L_overlay_start_0:
0x88: {  	s2 =	sld [smem:$0x3FD9]  }
0x89: {  	s3 =	sld [smem:$0x3FFE];
	_ =	sdelay $0x1  }
0x8a: {  	s1 =	srdreg.scid  }
0x8b: {  	s0 =	sand.u32 $0x1, s1  }
0x8c: {  	s17 =	sshll.u32 s0, $0xA;
	s2 =	sadd.s32 s3, s2  }
0x8d: {  	s2 =	sadd.s32 s2, s17  }
0x8e: {  	[smem:$0x3FC0] =	sst s2  }
0x8f: {  	_ = 	snop  }
0x90: {  	s2 =	sld [smem:$0x3FD0];
	(tm) =	ssettm $0x1  }
0x91: {  	s18 =	sld [smem:$0x3FFB];
	_ =	sdelay $0x3  }
0x92: {  	_ =	strace s18  }
0x93: {  	s3 =	sld [smem:$0x3FFC];
	_ =	sdelay $0x3  }
0x94: {  	_ =	strace s3  }
0x95: {  	s3 =	sld [smem:$0x3FFD];
	_ =	sdelay $0x3  }
0x96: {  	_ =	strace s3  }
0x97: {  	_ =	strace $0x8FFFFFFF  }
0x98: {  	s19 =	sld [smem:$0x3FDB];
	_ =	sdelay $0x1  }
0x99: {  	s4 =	simm.s32 $_scs_section_size  }
0x9a: {  	s5 =	simm.s32 $_size__tile_overlayer_lowered;
	s6 =	simm.s32 $_tile_overlayer_lowered  }
0x9b: {  	s22 =	simm.s32 $0x1BFF;
	s21 =	sshll.u32 s6, $0x1;
	s3 =	sadd.s32 s4, s19  }
0x9c: {  	s7 =	simm.s32 $0x0;
	s20 =	sshll.u32 s5, $0x1;
	s5 =	sadd.s32 s21, s3  }
0x9d: {  	[timem:s7], [sflag:s22] =	dma.local [hbm:s5], s20  }
0x9e: {  	_ =	swait.ge [sflag:s22], s20  }
0x9f: {  	s4 =	ssub.s32 $0x0, s20;
	[sflag:s22] =	ssyncset.done $0x0  }
0xa0: {  	[sflag:s22] =	ssyncadd.s32 s4;
	_ =	sdelay $0x1  }
0xa1: {  	s23 =	simm.s32 $0x1B8B  }
0xa2: {  	_ =	swait.ge [sflag:s23], $0x1  }
0xa3: {  	[sflag:s23] =	ssyncset.done $0x0  }
0xa4: {  	s25 =	simm.s32 $0x1B8E;
	s24 =	sld [smem:$0x3FFE];
	[sflag:s23] =	ssyncadd.s32 $0xFFFFFFFF  }
0xa5: {  	s26 =	simm.s32 $execute0_lowered;
	[smem:$0x3FD2] =	sst s25  }
0xa6: {  	s5 =	sshll.u32 s26, $0x1;
	_ =	strace $0x80000046;
	[dreg:$0x1] =	wrdreg $0xFFFFFFFF  }
0xa7: {  	s28 =	simm.s32 $_size_execute0_lowered;
	s3 =	sadd.s32 s3, s5;
	[dreg:$0x0] =	wrdreg $0x0  }
0xa8: {  	s5 =	sshll.u32 s28, $0x1;
	[dreg:$0x2] =	wrdreg s3  }
0xa9: {  	[dreg:$0x3] =	wrdreg s5  }
0xaa: {  	[dreg:$0x4] =	wrdreg $0xC0  }
0xab: {  	_ =	task [dreg:s7], $0x5FFFF  }
0xac: {  	[dreg:$0x1] =	wrdreg $0xFFFFFFFF  }
0xad: {  	[dreg:$0x0] =	wrdreg $0x60  }
0xae: {  	[dreg:$0x2] =	wrdreg s24  }
0xaf: {  	[dreg:$0x3] =	wrdreg s2  }
0xb0: {  	[dreg:$0x4] =	wrdreg $0x9  }
0xb1: {  	_ =	task.clear_ibuf [dreg:s7], $0x5FFFF;
	_ =	strace $0x90000046  }
0xb2: {  	s29 =	simm.s32 $0x9;
	_ =	strace $0x80000048  }
0xb3: {  	_ =	swait.ge [sflag:s29], $0x1  }
0xb4: {  	[sflag:s29] =	ssyncadd.s32 $0xFFFFFFFF  }
0xb5: {  	_ =	strace $0x90000048  }
0xb6: {  	_ =	sfence  }
0xb7: {  	s30 =	sld [smem:$0x0];
	_ =	sdelay $0x2  }
0xb8: {  	s31 =	sshll.u32 s1, $0xD;
	s1 =	sshrl.u32 s1, $0x2  }
0xb9: {  	s3 =	sand.u32 $0x4000, s31;
	s1 =	sadd.s32 s1, s30  }
0xba: {  	s0 =	sor.u32 s3, s0;
	s1 =	sshll.u32 s1, $0x11  }
0xbb: {  	s0 =	sor.u32 s1, s0  }
0xbc: {  	s0 =	sadd.s32 $0x8F2B, s0  }
0xbd: {  	[sflag:s0] =	ssyncadd.remote.s32 $0x1  }
0xbe: {  	_ =	sfence.sel $0xFFFF  }
0xbf: {  	[dreg:$0x0] =	wrdreg $0xFFFFFFFF;
	(pc) =	sbr.abs _section_cstart, $3  }
0xc0: {  	[dreg:$0x1] =	wrdreg $0xFFFFFFFF  }
0xc1: {  	_ =	task.clear_ibuf [dreg:s7], $0x2FFFF;
	_ =	strace $0x9FFFFFFF  }
0xc2: {  	(tm) =	ssettm $0x7FFFFFFF  }
0xc3: {  	_ =	shalt  }
tec
execute0_lowered:
.L_overlay_start_1:
0x0: {  	(tag) =	ssettag $0x1  }
0x1: {  	s1 =	srdreg.scid;
	s3 =	rddreg [dreg:$0x0]  }
0x2: {  	s0 =	stileid.u32;
	s5 =	rddreg [dreg:$0x1]  }
0x3: {  	s2 =	simm.s32 $0x0;
	s4 =	sand.u32 $0x1, s1;
	s31 =	sshll.u32 s0, $0x1  }
0x4: {  	s10 =	simm.s32 $0x5000;
	s11 =	simm.s32 $0x7720;
	s6 =	sor.u32 s4, s31  }
0x5: {  	s12 =	simm.s32 $0x0;
	s4 =	ssub.s32 $0x2, s4;
	s7 =	smul.u32 $0x500, s6  }
0x6: {  	[smem:$0x7FF] =	sst s2;
	s6 =	smul.u32 $0x4E4, s6;
	s9 =	sshrl.u32 s4, $0x1  }
0x7: {  	s1 =	rddreg [dreg:$0x2];
	_ =	strace $0x80000047;
	s9 =	ssub.s32 s4, s9  }
0x8: {  	s8 =	sadd.s32 s7, s3;
	s6 =	sadd.s32 s6, s3;
	s4 =	sadd.s32 s5, s7  }
0x9: {  	s7 =	smax.u32 s9, $0x1;
	s9 =	simm.s32 $0x2800;
	s3 =	sadd.s32 $0x2200, s8  }
0xa: {  	v0 =	vimm.f32 $0.0e+00;
	v1 =	vimm.f32 $1.000000000e+00;
	s5 =	sadd.s32 $0xC200, s6;
	s6 =	sadd.s32 $0x16000, s6;
	s8 =	simm.s32 $0x1  }
.LBB2_1:
0xb: {  	s13 =	simm.s32 $0x40;
	s14 =	simm.s32 $0x0  }
.LBB2_2:
0xc: {  	p0 =	sne.s32 s13, $0x9C40;
	[tilespmem:s14+$0x5000] =	vst v0;
	s15 =	smov.u32 s13;
	s13 =	sadd.s32 $0x40, s13  }
.Ltmp0:
0xd: {  	[tilespmem:s14+$0x7720] =	vst v0;
	(pc) =	sbr.rel @p0 .LBB2_2-.Ltmp0, $2  }
0xe: {  	_ =	sdelay $0x2  }
0xf: {  	s14 =	sshra.s32 s15, $0x2  }
0x10: {  	[tilespmem:s14+$0x5000] =	vst v0  }
0x11: {  	[tilespmem:s14+$0x7720] =	vst v0;
	s13 =	simm.s32 $0x0  }
0x12: {  	[tilespmem:s13], [sflag:$0x1] =	stream.linear.gather [hbm4b:s3+s13], $0x2800, $0x38;
	[tilespmem:$0x9E40] =	vst v63  }
0x13: {  	_ =	swait.ge [sflag:s8], $0x2800  }
0x14: {  	[sflag:s8] =	ssyncset.done $0x0  }
0x15: {  	[sflag:s8] =	ssyncadd.s32 $0xFFFFD800  }
0x16: {  	[tilespmem:s9], [sflag:$0x1] =	stream.linear.gather [hbm4b:s4+s13], $0x2800, $0x38;
	[tilespmem:$0x9E40] =	vst v63  }
0x17: {  	_ =	swait.ge [sflag:s8], $0x2800  }
0x18: {  	[sflag:s8] =	ssyncset.done $0x0  }
0x19: {  	s14 =	simm.s32 $0x0;
	s13 =	simm.s32 $0x40;
	[sflag:s8] =	ssyncadd.s32 $0xFFFFD800  }
.LBB2_4:
0x1a: {  	p0 =	sne.s32 s13, $0x9FC0;
	v2 =	vld [tilespmem:s14+$0x0];
	_ =	sdelay $0x7  }
0x1b: {  	[tilespmem:v2+s10+$0x0] =	vst.idx.add.f32.msk $0xffff, v1  }
0x1c: {  	v2 =	vld [tilespmem:s14+$0x2800];
	_ =	sdelay $0x3  }
.Ltmp1:
0x1d: {  	(pc) =	sbr.rel @p0 .LBB2_4-.Ltmp1, $2  }
0x1e: {  	_ =	sdelay $0x2  }
0x1f: {  	s14 =	sshra.s32 s13, $0x2;
	s13 =	sadd.s32 $0x40, s13;
	[tilespmem:v2+s11+$0x0] =	vst.idx.add.f32.msk $0xffff, v1  }
0x20: {  	v2 =	vld [tilespmem:s14+$0x0];
	_ =	sdelay $0x7  }
0x21: {  	[tilespmem:v2+s10+$0x0] =	vst.idx.add.f32.msk $0xffff, v1  }
0x22: {  	v2 =	vld [tilespmem:s14+$0x2800];
	_ =	sdelay $0x7  }
0x23: {  	[tilespmem:v2+s11+$0x0] =	vst.idx.add.f32.msk $0xffff, v1  }
0x24: {  	[hbm4b:s5+s2] =	stream.linear.scatter [tilespmem:s10], [sflag:$0x1], $0x2720, $0x38;
	[tilespmem:$0x9E40] =	vst v63  }
0x25: {  	s12 =	sadd.s32 $0x1, s12;
	_ =	swait.ge [sflag:s8], $0x2720  }
0x26: {  	p0 =	sne.s32 s12, s7;
	[sflag:s8] =	ssyncset.done $0x0  }
.Ltmp2:
0x27: {  	[sflag:s8] =	ssyncadd.s32 $0xFFFFD8E0;
	(pc) =	sbr.rel @p0 .LBB2_1-.Ltmp2, $4  }
0x28: {  	[hbm4b:s6+s2] =	stream.linear.scatter [tilespmem:s11], [sflag:$0x1], $0x2720, $0x38;
	[tilespmem:$0x9E40] =	vst v63  }
0x29: {  	_ =	swait.ge [sflag:s8], $0x2720  }
0x2a: {  	[sflag:s8] =	ssyncset.done $0x0  }
0x2b: {  	[sflag:s8] =	ssyncadd.s32 $0xFFFFD8E0  }
0x2c: {  	_ =	sfence.sel $0x180000  }
0x2d: {  	[bflag:$0x0] =	sbarrier.arrive $0xFFFF  }
0x2e: {  	p0 =	sne.s32 s0, $0x0;
	_ =	strace $0x90000047  }
0x2f: {  	s0 =	sadd.s32 @!p0 $0x100000, s1;
	[bflag:$0x2] =	sbarrier.arrive $0xFFFF  }
0x30: {  	[sflag:s0] =	ssyncadd.tile.s32 @!p0 $0x1;
	_ =	shalt  }
.Lfunc_end2:
_tile_overlayer_lowered:
.L_overlay_start_2:
0x31: {  	(tag) =	ssettag $0x2  }
0x32: {  	s0 =	rddreg [dreg:$0x0];
	s2 =	stileid.u32  }
0x33: {  	s1 =	rddreg [dreg:$0x1];
	p0 =	sne.s32 s2, $0x0  }
0x34: {  	s3 =	rddreg [dreg:$0x2];
	[bflag:$0x3] =	sbarrier.arrive $0xFFFF;
	s2 =	simm.s32 @!p0 $0x1C01  }
0x35: {  	[timem:s3], [sflag:s2] =	dma.local @!p0 [hbm:s0], s1  }
0x36: {  	s0 =	simm.s32 @!p0 $0x1  }
0x37: {  	_ =	swait.ge @!p0 [sflag:s0], s1  }
0x38: {  	s1 =	ssub.s32 @!p0 $0x0, s1;
	[sflag:s0] =	ssyncset.done @!p0 $0x0  }
0x39: {  	[sflag:s0] =	ssyncadd.s32 @!p0 s1  }
0x3a: {  	[bflag:$0x3] =	sbarrier.arrive $0xFFFF  }
0x3b: {  	_ =	shalt  }

// kernel: kernel.9.cloned.1.call-start
scs
__scs_entry_jumppad:
0x0: {  	(pc) =	sbr.rel $0x88, $3  }
0x1: {  	(tag) =	ssettag $0x0;
	lr =	simm.s32 $0x1  }
0x2: {  	[smem:$0x3F99] =	sst lr;
	_ =	strace $0xD0000000  }
0x3: {  	_ = 	snop  }
0x4: {  	_ = 	snop  }
0x5: {  	_ = 	snop  }
0x6: {  	_ = 	snop  }
0x7: {  	_ = 	snop  }
__scs_overlays_trampoline_lowered:
0x8: {  	[smem:$0x3FA8] =	sst s0  }
0x9: {  	[smem:$0x3FA9] =	sst s1  }
0xa: {  	[smem:$0x3FAA] =	sst s2  }
0xb: {  	[smem:$0x3FAB] =	sst s3  }
0xc: {  	[smem:$0x3FAC] =	sst s4  }
0xd: {  	[smem:$0x3FAD] =	sst s5  }
0xe: {  	[smem:$0x3FAE] =	sst s6  }
0xf: {  	[smem:$0x3FAF] =	sst s7  }
0x10: {  	[smem:$0x3FB0] =	sst s8  }
0x11: {  	[smem:$0x3FB1] =	sst s9;
	s0 =	simm.s32 @!p0 $0x0  }
0x12: {  	s1 =	sld [smem:$0x3F97];
	s0 =	simm.s32 @p0 $0x1  }
0x13: {  	[smem:$0x3FB2] =	sst s0;
	s0 =	simm.s32 @!p1 $0x0  }
0x14: {  	s2 =	sld [smem:$0x3F96];
	s0 =	simm.s32 @p1 $0x1  }
0x15: {  	[smem:$0x3FB3] =	sst s0;
	s0 =	simm.s32 @!p2 $0x0  }
0x16: {  	s3 =	sld [smem:$0x3FDB];
	s0 =	simm.s32 @p2 $0x1  }
0x17: {  	s4 =	simm.s32 $0x1BF5;
	[smem:$0x3FB5] =	sst s0  }
0x18: {  	s0 =	sld [smem:$0x3F98];
	_ =	swait.ge [sflag:s4], $0x0  }
0x19: {  	s7 =	sld [smem:$0x3F99]  }
0x1a: {  	s8 =	sadd.s32 $0xFFFFE003, lr  }
0x1b: {  	s9 =	sadd.s32 $0xFFFFFEF7, lr;
	s5 =	simm.s32 $0xFFFFFFFF;
	p2 =	slt.u32 s8, $0xFFFFF086  }
0x1c: {  	p1 =	slt.u32 s9, $0xF7A;
	s5 =	simm.s32 @!p2 $0x0  }
0x1d: {  	s5 =	simm.s32 @p1 $0x1;
	p0 =	seq.s32 s7, s2  }
0x1e: {  	s7 =	smul.u32 @!p0 $0xF7A, s2;
	p2 =	seq.s32 @!p0 s5, $0x0  }
0x1f: {  	s9 =	smul.u32 $0xF7A, s1;
	s8 =	simm.s32 @!p0 $0x1BF5;
	p2 =	por !p2, p0  }
0x20: {  	[sflag:s8] =	ssyncset.s32 @!p0 $0xFFFFF086;
	s6 =	sadd.s32 @!p0 s3, s7;
	s7 =	simm.s32 @!p0 $0x108  }
0x21: {  	s3 =	sadd.s32 s3, s9;
	s6 =	sadd.s32 @!p0 $0x88, s6;
	s7 =	simm.s32 @p2 $0x1082  }
0x22: {  	[simem:s7], [sflag:s8] =	dma.local @!p0 [hbm:s6], $0xF7A  }
0x23: {  	s9 =	sor.u32 $0xD0000000, s2;
	s6 =	simm.s32 $0x108;
	_ =	swait.ge @!p0 [sflag:s8], $0x0  }
0x24: {  	s3 =	sadd.s32 $0x88, s3;
	s6 =	simm.s32 @!p1 $0x1082;
	[sflag:s4] =	ssyncset.s32 $0xFFFFF086  }
0x25: {  	[simem:s6], [sflag:s4] =	dma.local [hbm:s3], $0xF7A  }
0x26: {  	[smem:$0x3F99] =	sst s1;
	(tag) =	ssettag s2;
	_ =	strace s9  }
0x27: {  	s1 =	sld [smem:$0x3FA9]  }
0x28: {  	s2 =	sld [smem:$0x3FAA]  }
0x29: {  	s4 =	sld [smem:$0x3FAC]  }
0x2a: {  	p0 =	seq.s32 s5, $0x0;
	s5 =	sld [smem:$0x3FAD]  }
0x2b: {  	s6 =	sld [smem:$0x3FAE]  }
0x2c: {  	s7 =	sld [smem:$0x3FAF]  }
0x2d: {  	s3 =	simm.s32 $0x108;
	s8 =	sld [smem:$0x3FB0]  }
0x2e: {  	s3 =	simm.s32 @!p0 $0x1082;
	s9 =	sld [smem:$0x3FB1]  }
0x2f: {  	lr =	sadd.s32 s0, s3;
	s0 =	sld [smem:$0x3FA8]  }
0x30: {  	s3 =	sld [smem:$0x3FAB]  }
0x31: {  	[smem:$0x3FB4] =	sst s10  }
0x32: {  	s10 =	sld [smem:$0x3FB2];
	_ =	sdelay $0x3  }
0x33: {  	p0 =	seq.s32 s10, $0x1;
	s10 =	sld [smem:$0x3FB4];
	_ =	sdelay $0x3  }
0x34: {  	[smem:$0x3FB4] =	sst s10  }
0x35: {  	s10 =	sld [smem:$0x3FB3];
	_ =	sdelay $0x3  }
0x36: {  	p1 =	seq.s32 s10, $0x1;
	s10 =	sld [smem:$0x3FB4];
	_ =	sdelay $0x3  }
0x37: {  	[smem:$0x3FB4] =	sst s10  }
0x38: {  	s10 =	sld [smem:$0x3FB5]  }
0x39: {  	_ = 	snop;
	(pc) =	sbr.ind lr, $3  }
0x3a: {  	_ = 	snop  }
0x3b: {  	_ = 	snop  }
0x3c: {  	p2 =	seq.s32 s10, $0x1;
	s10 =	sld [smem:$0x3FB4]  }
0x3d: {  	_ =	shalt  }
0x3e: {  	_ =	shalt  }
0x3f: {  	_ =	shalt  }
0x40: {  	_ =	shalt  }
0x41: {  	_ =	shalt  }
0x42: {  	_ =	shalt  }
0x43: {  	_ =	shalt  }
0x44: {  	_ =	shalt  }
0x45: {  	_ =	shalt  }
0x46: {  	_ =	shalt  }
0x47: {  	_ =	shalt  }
0x48: {  	_ =	shalt  }
0x49: {  	_ =	shalt  }
0x4a: {  	_ =	shalt  }
0x4b: {  	_ =	shalt  }
0x4c: {  	_ =	shalt  }
0x4d: {  	_ =	shalt  }
0x4e: {  	_ =	shalt  }
0x4f: {  	_ =	shalt  }
0x50: {  	_ =	shalt  }
0x51: {  	_ =	shalt  }
0x52: {  	_ =	shalt  }
0x53: {  	_ =	shalt  }
0x54: {  	_ =	shalt  }
0x55: {  	_ =	shalt  }
0x56: {  	_ =	shalt  }
0x57: {  	_ =	shalt  }
0x58: {  	_ =	shalt  }
0x59: {  	_ =	shalt  }
0x5a: {  	_ =	shalt  }
0x5b: {  	_ =	shalt  }
0x5c: {  	_ =	shalt  }
0x5d: {  	_ =	shalt  }
0x5e: {  	_ =	shalt  }
0x5f: {  	_ =	shalt  }
0x60: {  	_ =	shalt  }
0x61: {  	_ =	shalt  }
0x62: {  	_ =	shalt  }
0x63: {  	_ =	shalt  }
0x64: {  	_ =	shalt  }
0x65: {  	_ =	shalt  }
0x66: {  	_ =	shalt  }
0x67: {  	_ =	shalt  }
0x68: {  	_ =	shalt  }
0x69: {  	_ =	shalt  }
0x6a: {  	_ =	shalt  }
0x6b: {  	_ =	shalt  }
0x6c: {  	_ =	shalt  }
0x6d: {  	_ =	shalt  }
0x6e: {  	_ =	shalt  }
0x6f: {  	_ =	shalt  }
0x70: {  	_ =	shalt  }
0x71: {  	_ =	shalt  }
0x72: {  	_ =	shalt  }
0x73: {  	_ =	shalt  }
0x74: {  	_ =	shalt  }
0x75: {  	_ =	shalt  }
0x76: {  	_ =	shalt  }
0x77: {  	_ =	shalt  }
0x78: {  	_ =	shalt  }
0x79: {  	_ =	shalt  }
0x7a: {  	_ =	shalt  }
0x7b: {  	_ =	shalt  }
0x7c: {  	_ =	shalt  }
0x7d: {  	_ =	shalt  }
0x7e: {  	_ =	shalt  }
0x7f: {  	_ =	shalt  }
0x80: {  	_ =	shalt  }
0x81: {  	_ =	shalt  }
0x82: {  	_ =	shalt  }
0x83: {  	_ =	shalt  }
0x84: {  	_ =	shalt  }
0x85: {  	_ =	shalt  }
0x86: {  	_ =	shalt  }
0x87: {  	_ =	shalt  }
.Lfunc_end0:
.L_simem_size_0:
called_computation.1_lowered:
.L_overlay_start_0:
0x88: {  	s2 =	sld [smem:$0x3FD9]  }
0x89: {  	s3 =	sld [smem:$0x3FFE];
	_ =	sdelay $0x1  }
0x8a: {  	s1 =	srdreg.scid  }
0x8b: {  	s0 =	sand.u32 $0x1, s1  }
0x8c: {  	s17 =	sshll.u32 s0, $0xA;
	s2 =	sadd.s32 s3, s2  }
0x8d: {  	s2 =	sadd.s32 s2, s17  }
0x8e: {  	[smem:$0x3FC0] =	sst s2  }
0x8f: {  	_ = 	snop  }
0x90: {  	s2 =	sld [smem:$0x3FD0];
	(tm) =	ssettm $0x1  }
0x91: {  	s18 =	sld [smem:$0x3FFB];
	_ =	sdelay $0x3  }
0x92: {  	_ =	strace s18  }
0x93: {  	s3 =	sld [smem:$0x3FFC];
	_ =	sdelay $0x3  }
0x94: {  	_ =	strace s3  }
0x95: {  	s3 =	sld [smem:$0x3FFD];
	_ =	sdelay $0x3  }
0x96: {  	_ =	strace s3  }
0x97: {  	_ =	strace $0x8FFFFFFF  }
0x98: {  	s19 =	sld [smem:$0x3FDB];
	_ =	sdelay $0x1  }
0x99: {  	s4 =	simm.s32 $_scs_section_size  }
0x9a: {  	s5 =	simm.s32 $_size__tile_overlayer_lowered;
	s6 =	simm.s32 $_tile_overlayer_lowered  }
0x9b: {  	s22 =	simm.s32 $0x1BFF;
	s21 =	sshll.u32 s6, $0x1;
	s3 =	sadd.s32 s4, s19  }
0x9c: {  	s7 =	simm.s32 $0x0;
	s20 =	sshll.u32 s5, $0x1;
	s5 =	sadd.s32 s21, s3  }
0x9d: {  	[timem:s7], [sflag:s22] =	dma.local [hbm:s5], s20  }
0x9e: {  	_ =	swait.ge [sflag:s22], s20  }
0x9f: {  	s4 =	ssub.s32 $0x0, s20;
	[sflag:s22] =	ssyncset.done $0x0  }
0xa0: {  	[sflag:s22] =	ssyncadd.s32 s4;
	_ =	sdelay $0x1  }
0xa1: {  	s23 =	simm.s32 $0x1B8B  }
0xa2: {  	_ =	swait.ge [sflag:s23], $0x1  }
0xa3: {  	[sflag:s23] =	ssyncset.done $0x0  }
0xa4: {  	s25 =	simm.s32 $0x1B8E;
	s24 =	sld [smem:$0x3FFE];
	[sflag:s23] =	ssyncadd.s32 $0xFFFFFFFF  }
0xa5: {  	s26 =	simm.s32 $execute0_lowered;
	[smem:$0x3FD2] =	sst s25  }
0xa6: {  	s5 =	sshll.u32 s26, $0x1;
	_ =	strace $0x80000049;
	[dreg:$0x1] =	wrdreg $0xFFFFFFFF  }
0xa7: {  	s28 =	simm.s32 $_size_execute0_lowered;
	s3 =	sadd.s32 s3, s5;
	[dreg:$0x0] =	wrdreg $0x0  }
0xa8: {  	s5 =	sshll.u32 s28, $0x1;
	[dreg:$0x2] =	wrdreg s3  }
0xa9: {  	[dreg:$0x3] =	wrdreg s5  }
0xaa: {  	[dreg:$0x4] =	wrdreg $0xC0  }
0xab: {  	_ =	task [dreg:s7], $0x5FFFF  }
0xac: {  	[dreg:$0x1] =	wrdreg $0xFFFFFFFF  }
0xad: {  	[dreg:$0x0] =	wrdreg $0x60  }
0xae: {  	[dreg:$0x2] =	wrdreg s24  }
0xaf: {  	[dreg:$0x3] =	wrdreg s2  }
0xb0: {  	[dreg:$0x4] =	wrdreg $0xA9000  }
0xb1: {  	[dreg:$0x5] =	wrdreg $0x9  }
0xb2: {  	_ =	task.clear_ibuf [dreg:s7], $0x6FFFF;
	_ =	strace $0x90000049  }
0xb3: {  	s29 =	simm.s32 $0x9;
	_ =	strace $0x8000004E  }
0xb4: {  	_ =	swait.ge [sflag:s29], $0x1  }
0xb5: {  	[sflag:s29] =	ssyncadd.s32 $0xFFFFFFFF  }
0xb6: {  	_ =	strace $0x9000004E  }
0xb7: {  	_ =	sfence  }
0xb8: {  	s30 =	sld [smem:$0x0];
	_ =	sdelay $0x2  }
0xb9: {  	s31 =	sshll.u32 s1, $0xD;
	s1 =	sshrl.u32 s1, $0x2  }
0xba: {  	s3 =	sand.u32 $0x4000, s31;
	s1 =	sadd.s32 s1, s30  }
0xbb: {  	s0 =	sor.u32 s3, s0;
	s1 =	sshll.u32 s1, $0x11  }
0xbc: {  	s0 =	sor.u32 s1, s0  }
0xbd: {  	s0 =	sadd.s32 $0x8F2B, s0  }
0xbe: {  	[sflag:s0] =	ssyncadd.remote.s32 $0x1  }
0xbf: {  	_ =	sfence.sel $0xFFFF  }
0xc0: {  	[dreg:$0x0] =	wrdreg $0xFFFFFFFF;
	(pc) =	sbr.abs _section_cstart, $3  }
0xc1: {  	[dreg:$0x1] =	wrdreg $0xFFFFFFFF  }
0xc2: {  	_ =	task.clear_ibuf [dreg:s7], $0x2FFFF;
	_ =	strace $0x9FFFFFFF  }
0xc3: {  	(tm) =	ssettm $0x7FFFFFFF  }
tec
execute0_lowered:
.L_overlay_start_1:
0x0: {  	(tag) =	ssettag $0x1  }
0x1: {  	s0 =	rddreg [dreg:$0x0]  }
0x2: {  	s1 =	rddreg [dreg:$0x1]  }
0x3: {  	s2 =	rddreg [dreg:$0x2]  }
0x4: {  	s16 =	stileid.u32;
	s4 =	srdreg.scid;
	s3 =	simm.s32 $0x0  }
0x5: {  	s18 =	simm.s32 $0x5;
	s19 =	simm.s32 $0x100;
	s28 =	simm.s32 $0x4  }
0x6: {  	s29 =	simm.s32 $0x2800;
	s30 =	simm.s32 $0x2880;
	s5 =	smul.u32 $0x13900, s16  }
0x7: {  	s31 =	simm.s32 $0x0;
	s6 =	sand.u32 $0x1, s4;
	s13 =	smul.u32 $0x13880, s16  }
0x8: {  	[smem:$0x7FF] =	sst s3;
	s4 =	sadd.s32 $0x1FE00, s0;
	s12 =	smul.u32 $0x500, s16  }
0x9: {  	s10 =	sadd.s32 $0x2200, s0;
	s20 =	smul.u32 $0x2800, s16;
	s26 =	sshll.u32 s16, $0x6  }
0xa: {  	s7 =	smul.u32 $0x138800, s6;
	_ =	strace $0x8000004A;
	s9 =	ssub.s32 $0x2, s6  }
0xb: {  	p0 =	seq.s32 s6, $0x1;
	s16 =	sor.u32 $0x1C05, s26;
	s26 =	simm.s32 $0x2  }
0xc: {  	s8 =	sshrl.u32 s5, $0x3;
	s11 =	sshrl.u32 s9, $0x1;
	s17 =	sadd.s32 s5, s2  }
0xd: {  	s21 =	sadd.s32 s1, s12;
	s23 =	sadd.s32 $0x5000, s12;
	s25 =	sadd.s32 s13, s2  }
0xe: {  	s8 =	sadd.s32 s8, s0;
	s7 =	sadd.s32 s13, s7;
	s14 =	ssub.s32 s9, s11  }
0xf: {  	[dreg:$0x4] =	wrdreg s21;
	s9 =	sshrl.u32 s20, $0x3;
	s17 =	sshrl.u32 s17, $0x3  }
0x10: {  	s20 =	simm.s32 $0x80;
	s21 =	simm.s32 $0x2900;
	s25 =	sshrl.u32 s25, $0x3  }
0x11: {  	s7 =	sshrl.u32 s7, $0x3;
	s5 =	sadd.s32 $0x47000, s8;
	s24 =	sadd.s32 s10, s9  }
.Ltmp0:
0x12: {  	s9 =	sadd.s32 s1, s23;
	s13 =	smax.u32 s14, $0x1;
	(pc) =	sbr.rel .LBB2_1-.Ltmp0, $4  }
0x13: {  	s0 =	sadd.s32 s7, s0;
	s7 =	sadd.s32 s10, s12;
	s10 =	sadd.s32 s10, s23  }
0x14: {  	s11 =	sadd.s32 $0x5010, s24;
	s23 =	simm.s32 $0x1;
	s24 =	simm.s32 $0x3  }
0x15: {  	s22 =	sadd.s32 $0x10, s7;
	s12 =	sadd.s32 $0x6E200, s0;
	s14 =	sadd.s32 $0x30, s7  }
0x16: {  	s15 =	sadd.s32 $0x5030, s7;
	[dreg:$0x5] =	wrdreg s22;
	s22 =	simm.s32 $0x6900  }
.LBB2_7:
0x17: {  	[tilespmem:s22], [sflag:$0x2] =	stream.indirect.gather [hbm4b:s4+s20], $0x80, s20, s20, $0x2000b8;
	[tilespmem:$0x1E200] =	vst v63  }
.LBB2_8:
0x18: {  	_ =	swait.ge [sflag:s23], $0x4000  }
0x19: {  	[sflag:s23] =	ssyncset.done $0x0  }
0x1a: {  	[sflag:s23] =	ssyncadd.s32 $0xFFFFC000  }
0x1b: {  	[spmem:s2] =	stream.indirect.scatter.add.f32 [tilespmem:s21], [sflag:$0x5], $0x80, s29, s20, $0x2000b8;
	[tilespmem:$0x1E200] =	vst v63  }
0x1c: {  	_ =	swait.ge [sflag:s18], $0x4000  }
0x1d: {  	[sflag:s18] =	ssyncset.done $0x0  }
0x1e: {  	[sflag:s18] =	ssyncadd.s32 $0xFFFFC000  }
0x1f: {  	_ =	swait.ge [sflag:s26], $0x4000  }
0x20: {  	[sflag:s26] =	ssyncset.done $0x0  }
0x21: {  	[sflag:s26] =	ssyncadd.s32 $0xFFFFC000  }
0x22: {  	[spmem:s2] =	stream.indirect.scatter.add.f32 [tilespmem:s22], [sflag:$0x5], $0x80, s30, s20, $0x2000b8;
	[tilespmem:$0x1E200] =	vst v63  }
0x23: {  	_ =	swait.ge [sflag:s18], $0x4000  }
0x24: {  	[sflag:s18] =	ssyncset.done $0x0  }
0x25: {  	[sflag:s18] =	ssyncadd.s32 $0xFFFFC000  }
0x26: {  	[bflag:$0x0] =	sbarrier.arrive $0xFFFF  }
0x27: {  	s31 =	sadd.s32 $0x1, s31;
	_ =	strace $0x9000004C  }
0x28: {  	p1 =	sne.s32 s31, s13;
	_ =	strace $0x8000004D  }
0x29: {  	[hbm:s12], [sflag:s16] =	dma.local [spmem:s25], $0x2710  }
.Ltmp1:
0x2a: {  	_ = 	snop;
	(pc) =	sbr.rel @!p1 .LBB2_9-.Ltmp1, $4  }
0x2b: {  	_ =	swait.ge [sflag:s18], $0x2710  }
0x2c: {  	[sflag:s18] =	ssyncset.done $0x0  }
0x2d: {  	[sflag:s18] =	ssyncadd.s32 $0xFFFFD8F0  }
0x2e: {  	_ =	strace $0x9000004D  }
.LBB2_1:
0x2f: {  	_ =	strace $0x8000004B  }
0x30: {  	[spmem:s17], [sflag:s16] =	dma.local [hbm:s5], $0x2720  }
0x31: {  	_ =	swait.ge [sflag:s18], $0x2720  }
.Ltmp2:
0x32: {  	[sflag:s18] =	ssyncset.done $0x0;
	(pc) =	sbr.rel @!p0 .LBB2_2-.Ltmp2, $4  }
0x33: {  	[sflag:s18] =	ssyncadd.s32 $0xFFFFD8E0  }
0x34: {  	[bflag:$0x0] =	sbarrier.arrive $0xFFFF  }
0x35: {  	_ =	strace $0x9000004B  }
0x36: {  	s0 =	simm.s32 $0x0;
	_ =	strace $0x8000004C  }
0x37: {  	[tilespmem:s19], [sflag:$0x5] =	stream.linear.gather [hbm4b:s9+s0], $0x2800, $0x200038;
	[tilespmem:$0x1E200] =	vst v63  }
0x38: {  	_ =	swait.ge [sflag:s18], $0x2800  }
0x39: {  	[sflag:s18] =	ssyncset.done $0x0  }
0x3a: {  	[sflag:s18] =	ssyncadd.s32 $0xFFFFD800  }
0x3b: {  	[tilespmem:s0], [sflag:$0x5] =	stream.linear.gather [hbm4b:s10+s0], $0x80, $0x200038;
	[tilespmem:$0x1E200] =	vst v63  }
0x3c: {  	_ =	swait.ge [sflag:s18], $0x80  }
0x3d: {  	[sflag:s18] =	ssyncset.done $0x0  }
0x3e: {  	[sflag:s18] =	ssyncadd.s32 $0xFFFFFF80  }
0x3f: {  	[tilespmem:s21], [sflag:$0x1] =	stream.indirect.gather [hbm4b:s4+s20], $0x80, s0, s20, $0x2000b8;
	[tilespmem:$0x1E200] =	vst v63  }
0x40: {  	_ = 	snop  }
0x41: {  	[tilespmem:s20], [sflag:$0x5] =	stream.linear.gather [hbm4b:s11+s0], $0x80, $0x200038;
	[tilespmem:$0x1E200] =	vst v63  }
0x42: {  	_ =	swait.ge [sflag:s18], $0x80  }
0x43: {  	[sflag:s18] =	ssyncset.done $0x0  }
0x44: {  	[sflag:s18] =	ssyncadd.s32 $0xFFFFFF80  }
0x45: {  	[tilespmem:s22], [sflag:$0x2] =	stream.indirect.gather [hbm4b:s4+s20], $0x80, s20, s20, $0x2000b8;
	[tilespmem:$0x1E200] =	vst v63  }
0x46: {  	_ =	swait.ge [sflag:s23], $0x4000  }
0x47: {  	[sflag:s23] =	ssyncset.done $0x0  }
0x48: {  	s1 =	sadd.s32 $0xFFFFFFF0, s15;
	[sflag:s23] =	ssyncadd.s32 $0xFFFFC000  }
0x49: {  	[tilespmem:s3], [sflag:$0x3] =	stream.linear.gather [hbm4b:s1+s3], $0x80, $0x200038;
	[tilespmem:$0x1E200] =	vst v63  }
0x4a: {  	s6 =	simm.s32 $0x100  }
0x4b: {  	[spmem:s2] =	stream.indirect.scatter.add.f32 [tilespmem:s21], [sflag:$0x5], $0x80, s6, s20, $0x2000b8;
	[tilespmem:$0x1E200] =	vst v63  }
0x4c: {  	_ =	swait.ge [sflag:s18], $0x4000  }
0x4d: {  	[sflag:s18] =	ssyncset.done $0x0  }
0x4e: {  	[sflag:s18] =	ssyncadd.s32 $0xFFFFC000  }
0x4f: {  	_ =	swait.ge [sflag:s24], $0x80  }
0x50: {  	[sflag:s24] =	ssyncset.done $0x0  }
0x51: {  	[sflag:s24] =	ssyncadd.s32 $0xFFFFFF80  }
0x52: {  	[tilespmem:s21], [sflag:$0x1] =	stream.indirect.gather [hbm4b:s4+s20], $0x80, s3, s20, $0x2000b8;
	[tilespmem:$0x1E200] =	vst v63  }
0x53: {  	_ =	swait.ge [sflag:s26], $0x4000  }
0x54: {  	[sflag:s26] =	ssyncset.done $0x0  }
0x55: {  	[sflag:s26] =	ssyncadd.s32 $0xFFFFC000  }
0x56: {  	[tilespmem:s20], [sflag:$0x4] =	stream.linear.gather [hbm4b:s15+s3], $0x80, $0x200038;
	[tilespmem:$0x1E200] =	vst v63  }
0x57: {  	s8 =	simm.s32 $0x180  }
0x58: {  	[spmem:s2] =	stream.indirect.scatter.add.f32 [tilespmem:s22], [sflag:$0x5], $0x80, s8, s20, $0x2000b8;
	[tilespmem:$0x1E200] =	vst v63  }
0x59: {  	_ =	swait.ge [sflag:s18], $0x4000  }
0x5a: {  	[sflag:s18] =	ssyncset.done $0x0  }
0x5b: {  	[sflag:s18] =	ssyncadd.s32 $0xFFFFC000  }
0x5c: {  	_ =	swait.ge [sflag:s28], $0x80  }
0x5d: {  	[sflag:s28] =	ssyncset.done $0x0  }
0x5e: {  	s0 =	simm.s32 $0x400;
	s1 =	sadd.s32 $0x20, s15;
	[sflag:s28] =	ssyncadd.s32 $0xFFFFFF80  }
.LBB2_6:
0x5f: {  	[tilespmem:s22], [sflag:$0x2] =	stream.indirect.gather [hbm4b:s4+s20], $0x80, s20, s20, $0x2000b8;
	[tilespmem:$0x1E200] =	vst v63  }
0x60: {  	s6 =	smov.u32 s0  }
0x61: {  	p1 =	sne.s32 s0, $0x9800;
	s0 =	sadd.s32 $0x400, s0;
	_ =	swait.ge [sflag:s23], $0x4000  }
0x62: {  	[sflag:s23] =	ssyncset.done $0x0  }
0x63: {  	s8 =	sadd.s32 $0xFFFFFFF0, s1;
	s6 =	sshra.s32 s6, $0x2;
	[sflag:s23] =	ssyncadd.s32 $0xFFFFC000  }
0x64: {  	[tilespmem:s3], [sflag:$0x3] =	stream.linear.gather [hbm4b:s8+s3], $0x80, $0x200038;
	[tilespmem:$0x1E200] =	vst v63  }
0x65: {  	s8 =	sadd.s32 $0x100, s6  }
0x66: {  	[spmem:s2] =	stream.indirect.scatter.add.f32 [tilespmem:s21], [sflag:$0x5], $0x80, s8, s20, $0x2000b8;
	[tilespmem:$0x1E200] =	vst v63  }
0x67: {  	_ =	swait.ge [sflag:s18], $0x4000  }
0x68: {  	[sflag:s18] =	ssyncset.done $0x0  }
0x69: {  	[sflag:s18] =	ssyncadd.s32 $0xFFFFC000  }
0x6a: {  	_ =	swait.ge [sflag:s24], $0x80  }
0x6b: {  	[sflag:s24] =	ssyncset.done $0x0  }
0x6c: {  	[sflag:s24] =	ssyncadd.s32 $0xFFFFFF80  }
0x6d: {  	[tilespmem:s21], [sflag:$0x1] =	stream.indirect.gather [hbm4b:s4+s20], $0x80, s3, s20, $0x2000b8;
	[tilespmem:$0x1E200] =	vst v63  }
0x6e: {  	_ =	swait.ge [sflag:s26], $0x4000  }
0x6f: {  	[sflag:s26] =	ssyncset.done $0x0  }
0x70: {  	[sflag:s26] =	ssyncadd.s32 $0xFFFFC000  }
0x71: {  	[tilespmem:s20], [sflag:$0x4] =	stream.linear.gather [hbm4b:s1+s3], $0x80, $0x200038;
	[tilespmem:$0x1E200] =	vst v63  }
0x72: {  	s6 =	sadd.s32 $0x180, s6  }
0x73: {  	[spmem:s2] =	stream.indirect.scatter.add.f32 [tilespmem:s22], [sflag:$0x5], $0x80, s6, s20, $0x2000b8;
	[tilespmem:$0x1E200] =	vst v63  }
0x74: {  	_ =	swait.ge [sflag:s18], $0x4000  }
.Ltmp3:
0x75: {  	[sflag:s18] =	ssyncset.done $0x0;
	(pc) =	sbr.rel @p1 .LBB2_6-.Ltmp3, $4  }
0x76: {  	[sflag:s18] =	ssyncadd.s32 $0xFFFFC000  }
0x77: {  	_ =	swait.ge [sflag:s28], $0x80  }
0x78: {  	[sflag:s28] =	ssyncset.done $0x0  }
0x79: {  	s1 =	sadd.s32 $0x20, s1;
	[sflag:s28] =	ssyncadd.s32 $0xFFFFFF80  }
.Ltmp4:
0x7a: {  	_ = 	snop;
	(pc) =	sbr.rel .LBB2_7-.Ltmp4, $1  }
0x7b: {  	_ =	sdelay $0x3  }
.LBB2_2:
0x7c: {  	s1 =	rddreg [dreg:$0x4]  }
0x7d: {  	[tilespmem:s19], [sflag:$0x5] =	stream.linear.gather [hbm4b:s1+s0], $0x2800, $0x200038;
	[tilespmem:$0x1E200] =	vst v63  }
0x7e: {  	_ =	swait.ge [sflag:s18], $0x2800  }
0x7f: {  	[sflag:s18] =	ssyncset.done $0x0  }
0x80: {  	[sflag:s18] =	ssyncadd.s32 $0xFFFFD800  }
0x81: {  	[tilespmem:s0], [sflag:$0x5] =	stream.linear.gather [hbm4b:s7+s0], $0x80, $0x200038;
	[tilespmem:$0x1E200] =	vst v63  }
0x82: {  	_ =	swait.ge [sflag:s18], $0x80  }
0x83: {  	[sflag:s18] =	ssyncset.done $0x0  }
0x84: {  	[sflag:s18] =	ssyncadd.s32 $0xFFFFFF80  }
0x85: {  	[tilespmem:s21], [sflag:$0x1] =	stream.indirect.gather [hbm4b:s4+s20], $0x80, s0, s20, $0x2000b8;
	[tilespmem:$0x1E200] =	vst v63  }
0x86: {  	s8 =	rddreg [dreg:$0x5]  }
0x87: {  	[tilespmem:s20], [sflag:$0x5] =	stream.linear.gather [hbm4b:s8+s0], $0x80, $0x200038;
	[tilespmem:$0x1E200] =	vst v63  }
0x88: {  	_ =	swait.ge [sflag:s18], $0x80  }
0x89: {  	[sflag:s18] =	ssyncset.done $0x0  }
0x8a: {  	[sflag:s18] =	ssyncadd.s32 $0xFFFFFF80  }
0x8b: {  	[tilespmem:s22], [sflag:$0x2] =	stream.indirect.gather [hbm4b:s4+s20], $0x80, s20, s20, $0x2000b8;
	[tilespmem:$0x1E200] =	vst v63  }
0x8c: {  	_ =	swait.ge [sflag:s23], $0x4000  }
0x8d: {  	[sflag:s23] =	ssyncset.done $0x0  }
0x8e: {  	s1 =	sadd.s32 $0xFFFFFFF0, s14;
	[sflag:s23] =	ssyncadd.s32 $0xFFFFC000  }
0x8f: {  	[tilespmem:s3], [sflag:$0x3] =	stream.linear.gather [hbm4b:s1+s3], $0x80, $0x200038;
	[tilespmem:$0x1E200] =	vst v63  }
0x90: {  	s6 =	simm.s32 $0x100  }
0x91: {  	[spmem:s2] =	stream.indirect.scatter.add.f32 [tilespmem:s21], [sflag:$0x5], $0x80, s6, s20, $0x2000b8;
	[tilespmem:$0x1E200] =	vst v63  }
0x92: {  	_ =	swait.ge [sflag:s18], $0x4000  }
0x93: {  	[sflag:s18] =	ssyncset.done $0x0  }
0x94: {  	[sflag:s18] =	ssyncadd.s32 $0xFFFFC000  }
0x95: {  	_ =	swait.ge [sflag:s24], $0x80  }
0x96: {  	[sflag:s24] =	ssyncset.done $0x0  }
0x97: {  	[sflag:s24] =	ssyncadd.s32 $0xFFFFFF80  }
0x98: {  	[tilespmem:s21], [sflag:$0x1] =	stream.indirect.gather [hbm4b:s4+s20], $0x80, s3, s20, $0x2000b8;
	[tilespmem:$0x1E200] =	vst v63  }
0x99: {  	_ =	swait.ge [sflag:s26], $0x4000  }
0x9a: {  	[sflag:s26] =	ssyncset.done $0x0  }
0x9b: {  	[sflag:s26] =	ssyncadd.s32 $0xFFFFC000  }
0x9c: {  	[tilespmem:s20], [sflag:$0x4] =	stream.linear.gather [hbm4b:s14+s3], $0x80, $0x200038;
	[tilespmem:$0x1E200] =	vst v63  }
0x9d: {  	s8 =	simm.s32 $0x180  }
0x9e: {  	[spmem:s2] =	stream.indirect.scatter.add.f32 [tilespmem:s22], [sflag:$0x5], $0x80, s8, s20, $0x2000b8;
	[tilespmem:$0x1E200] =	vst v63  }
0x9f: {  	_ =	swait.ge [sflag:s18], $0x4000  }
0xa0: {  	[sflag:s18] =	ssyncset.done $0x0  }
0xa1: {  	[sflag:s18] =	ssyncadd.s32 $0xFFFFC000  }
0xa2: {  	_ =	swait.ge [sflag:s28], $0x80  }
0xa3: {  	[sflag:s28] =	ssyncset.done $0x0  }
0xa4: {  	s0 =	simm.s32 $0x400;
	s1 =	sadd.s32 $0x20, s14;
	[sflag:s28] =	ssyncadd.s32 $0xFFFFFF80  }
.LBB2_3:
0xa5: {  	[tilespmem:s22], [sflag:$0x2] =	stream.indirect.gather [hbm4b:s4+s20], $0x80, s20, s20, $0x2000b8;
	[tilespmem:$0x1E200] =	vst v63  }
0xa6: {  	s6 =	smov.u32 s0  }
0xa7: {  	p1 =	seq.s32 s0, $0x9800;
	s0 =	sadd.s32 $0x400, s0;
	_ =	swait.ge [sflag:s23], $0x4000  }
0xa8: {  	[sflag:s23] =	ssyncset.done $0x0  }
0xa9: {  	s8 =	sadd.s32 $0xFFFFFFF0, s1;
	s6 =	sshra.s32 s6, $0x2;
	[sflag:s23] =	ssyncadd.s32 $0xFFFFC000  }
0xaa: {  	[tilespmem:s3], [sflag:$0x3] =	stream.linear.gather [hbm4b:s8+s3], $0x80, $0x200038;
	[tilespmem:$0x1E200] =	vst v63  }
0xab: {  	s8 =	sadd.s32 $0x100, s6  }
0xac: {  	[spmem:s2] =	stream.indirect.scatter.add.f32 [tilespmem:s21], [sflag:$0x5], $0x80, s8, s20, $0x2000b8;
	[tilespmem:$0x1E200] =	vst v63  }
0xad: {  	_ =	swait.ge [sflag:s18], $0x4000  }
0xae: {  	[sflag:s18] =	ssyncset.done $0x0  }
0xaf: {  	[sflag:s18] =	ssyncadd.s32 $0xFFFFC000  }
0xb0: {  	_ =	swait.ge [sflag:s24], $0x80  }
0xb1: {  	[sflag:s24] =	ssyncset.done $0x0  }
0xb2: {  	[sflag:s24] =	ssyncadd.s32 $0xFFFFFF80  }
0xb3: {  	[tilespmem:s21], [sflag:$0x1] =	stream.indirect.gather [hbm4b:s4+s20], $0x80, s3, s20, $0x2000b8;
	[tilespmem:$0x1E200] =	vst v63  }
0xb4: {  	_ =	swait.ge [sflag:s26], $0x4000  }
0xb5: {  	[sflag:s26] =	ssyncset.done $0x0  }
0xb6: {  	[sflag:s26] =	ssyncadd.s32 $0xFFFFC000  }
0xb7: {  	[tilespmem:s20], [sflag:$0x4] =	stream.linear.gather [hbm4b:s1+s3], $0x80, $0x200038;
	[tilespmem:$0x1E200] =	vst v63  }
0xb8: {  	s6 =	sadd.s32 $0x180, s6  }
0xb9: {  	[spmem:s2] =	stream.indirect.scatter.add.f32 [tilespmem:s22], [sflag:$0x5], $0x80, s6, s20, $0x2000b8;
	[tilespmem:$0x1E200] =	vst v63  }
0xba: {  	_ =	swait.ge [sflag:s18], $0x4000  }
.Ltmp5:
0xbb: {  	[sflag:s18] =	ssyncset.done $0x0;
	(pc) =	sbr.rel @!p1 .LBB2_3-.Ltmp5, $4  }
0xbc: {  	[sflag:s18] =	ssyncadd.s32 $0xFFFFC000  }
0xbd: {  	_ =	swait.ge [sflag:s28], $0x80  }
0xbe: {  	[sflag:s28] =	ssyncset.done $0x0  }
0xbf: {  	s1 =	sadd.s32 $0x20, s1;
	[sflag:s28] =	ssyncadd.s32 $0xFFFFFF80  }
.Ltmp6:
0xc0: {  	(pc) =	sbr.rel .LBB2_8-.Ltmp6, $2  }
0xc1: {  	_ =	sdelay $0x2  }
0xc2: {  	[tilespmem:s22], [sflag:$0x2] =	stream.indirect.gather [hbm4b:s4+s20], $0x80, s20, s20, $0x2000b8;
	[tilespmem:$0x1E200] =	vst v63  }
.LBB2_9:
0xc3: {  	_ =	sfence.sel $0x180000  }
0xc4: {  	[bflag:$0x0] =	sbarrier.arrive $0xFFFF  }
0xc5: {  	_ =	strace $0x9000004A  }
0xc6: {  	s0 =	stileid.u32;
	[bflag:$0x2] =	sbarrier.arrive $0xFFFF  }
0xc7: {  	p0 =	sne.s32 s0, $0x0;
	s0 =	rddreg [dreg:$0x3]  }
0xc8: {  	s0 =	sadd.s32 @!p0 $0x100000, s0  }
0xc9: {  	[sflag:s0] =	ssyncadd.tile.s32 @!p0 $0x1;
	_ =	shalt  }
.Lfunc_end2:
_tile_overlayer_lowered:
.L_overlay_start_2:
0xca: {  	(tag) =	ssettag $0x2  }
0xcb: {  	s0 =	rddreg [dreg:$0x0];
	s2 =	stileid.u32  }
0xcc: {  	s1 =	rddreg [dreg:$0x1];
	p0 =	sne.s32 s2, $0x0  }
0xcd: {  	s3 =	rddreg [dreg:$0x2];
	[bflag:$0x3] =	sbarrier.arrive $0xFFFF;
	s2 =	simm.s32 @!p0 $0x1C05  }
0xce: {  	[timem:s3], [sflag:s2] =	dma.local @!p0 [hbm:s0], s1  }
0xcf: {  	s0 =	simm.s32 @!p0 $0x5  }
0xd0: {  	_ =	swait.ge @!p0 [sflag:s0], s1  }
0xd1: {  	s1 =	ssub.s32 @!p0 $0x0, s1;
	[sflag:s0] =	ssyncset.done @!p0 $0x0  }
0xd2: {  	[sflag:s0] =	ssyncadd.s32 @!p0 s1  }
0xd3: {  	[bflag:$0x3] =	sbarrier.arrive $0xFFFF  }
0xd4: {  	_ =	shalt  }

</sc_bundles>
